<compile_context>
chip_gen: v7x
topology: tpu7x:2x2x1
jax: 0.10.2.dev20260603
libtpu: 0.0.44.dev20260713+nightly
codegen_flags: <defaults>
</compile_context>

<pallas_src>
import functools

import jax
import jax.numpy as jnp
from jax import lax
from jax.experimental import pallas as pl
from jax.experimental.pallas import tpu as pltpu
from jax.experimental.pallas import tpu_sc as plsc

B = 4096
SEQ = 200
D = 64
DP = 16
NC, NS = 2, 16
NW = NC * NS
BPW = B // NW
GRP = 8
NGRP = BPW // GRP
GROWS = GRP * SEQ


VPAD = 102400
SLAB = VPAD // 8
PBLK = 2560


def _proj_body(e0, e1, e2, e3, e4, e5, e6, e7, wpb_ref, p_ref):
    embs = (e0, e1, e2, e3, e4, e5, e6, e7)
    acc = jnp.zeros(p_ref.shape, jnp.float32)
    for a in range(8):
        acc = acc + lax.dot_general(
            embs[a][...], wpb_ref[a * D:(a + 1) * D, :],
            (((0,), (0,)), ((), ())),
            preferred_element_type=jnp.float32,
        )
    p_ref[...] = acc * (1.0 / SEQ)


def _project(embt, wpbig):
    v = embt.shape[1]
    nblk = v // PBLK
    grid = SLAB // PBLK

    def espec(a):
        return pl.BlockSpec(
            (D, PBLK),
            lambda j, a=a: (0, jnp.minimum(a * grid + j, nblk)),
        )

    return pl.pallas_call(
        _proj_body,
        grid=(grid,),
        in_specs=[espec(a) for a in range(8)]
        + [pl.BlockSpec((8 * D, 8 * DP), lambda j: (0, 0))],
        out_specs=pl.BlockSpec((PBLK, 8 * DP), lambda j: (j, 0)),
        out_shape=jax.ShapeDtypeStruct((SLAB, 8 * DP), jnp.float32),
    )(*([embt] * 8), wpbig)


def _make_sc_kernel():
    mesh = plsc.VectorSubcoreMesh(core_axis_name="c", subcore_axis_name="s")

    @functools.partial(
        pl.kernel,
        mesh=mesh,
        compiler_params=pltpu.CompilerParams(
            use_tc_tiling_on_sc=False, needs_layout_passes=False),
        out_type=jax.ShapeDtypeStruct((DP, B), jnp.float32),
        scratch_types=[
            pltpu.VMEM((SEQ // 8, 8, BPW), jnp.int32),
            pltpu.VMEM((BPW * SEQ,), jnp.int32),
            pltpu.VMEM((2, GROWS, DP), jnp.float32),
            pltpu.VMEM((DP, BPW), jnp.float32),
            pltpu.VMEM((DP,), jnp.float32),
            pltpu.SemaphoreType.DMA,
            pltpu.SemaphoreType.DMA,
        ],
    )
    def sc_kernel(textt_hbm, bias_hbm, p_hbm, out_hbm, stage_v, idx_v, rows_v,
                  res_v, bias_v, sem0, sem1):
        sems = (sem0, sem1)
        wid = lax.axis_index("s") * NC + lax.axis_index("c")
        base = wid * BPW
        pltpu.sync_copy(textt_hbm.at[:, wid], stage_v)
        pltpu.sync_copy(bias_hbm, bias_v)
        bvec = bias_v[...]
        lanes = lax.iota(jnp.int32, 16) * SEQ
        clanes = lax.iota(jnp.int32, 16)

        def transform_band(m):
            def step(t, _):
                x = stage_v[t >> 3, t & 7, pl.ds(16 * m, 16)]
                a = lax.shift_right_logical(
                    lax.shift_right_logical(x, 9) * 1311, 15)
                r = ((x - a * SLAB) << 3) | a
                plsc.store_scatter(idx_v, [lanes + (t + 16 * m * SEQ)], r)
                return 0

            lax.fori_loop(0, SEQ, step, 0)

        def fire(g, buf):
            gbase = g * GROWS
            for j in range(12):
                pltpu.async_copy(
                    p_hbm.at[idx_v.at[pl.ds(gbase + 128 * j, 128)]],
                    rows_v.at[buf, pl.ds(128 * j, 128)], sems[buf])
            pltpu.async_copy(
                p_hbm.at[idx_v.at[pl.ds(gbase + 1536, 64)]],
                rows_v.at[buf, pl.ds(1536, 64)], sems[buf])

        def drain(buf):
            pltpu.make_async_copy(
                p_hbm.at[pl.ds(0, GROWS)], rows_v.at[buf], sems[buf]).wait()

        def reduce_group(g, buf):
            zero = jnp.zeros((DP,), jnp.float32)

            def rstep(r, accs):
                return tuple(
                    accs[k] + (rows_v[buf, k * SEQ + 2 * r]
                               + rows_v[buf, k * SEQ + 2 * r + 1])
                    for k in range(GRP))

            accs = lax.fori_loop(0, SEQ // 2, rstep, (zero,) * GRP)
            for k in range(GRP):
                plsc.store_scatter(
                    res_v, [clanes, jnp.full((DP,), g * GRP + k, jnp.int32)],
                    accs[k] + bvec)

        transform_band(0)
        fire(0, 0)
        fire(1, 1)

        def pair(i, _):
            @pl.when(i + 1 < NGRP // 2)
            def _():
                transform_band(i + 1)

            for buf in range(2):
                g = 2 * i + buf
                drain(buf)
                reduce_group(g, buf)

                @pl.when(g + 2 < NGRP)
                def _():
                    fire(g + 2, buf)
            return 0

        lax.fori_loop(0, NGRP // 2, pair, 0)
        pltpu.sync_copy(res_v, out_hbm.at[:, pl.ds(base, BPW)])

    return sc_kernel


_sc_kernel = _make_sc_kernel()


def kernel(text, offsets, emb, W, b):
    del offsets
    nc = W.shape[0]
    wp = jnp.zeros((D, DP), jnp.float32).at[:, :nc].set(W.T)
    wpbig = jnp.kron(jnp.eye(8, dtype=jnp.float32), wp)
    bp = jnp.zeros((DP,), jnp.float32).at[:nc].set(b)
    p = _project(emb.T, wpbig).reshape(VPAD, DP)
    t4 = (text.astype(jnp.int32).T
          .reshape(SEQ // 8, 8, B // 128, 128)
          .transpose(0, 2, 1, 3))
    out16t = _sc_kernel(t4, bp, p)
    return out16t[:nc, :].T

# --- scband reference (transcript-rebuilt; emitter-appended) ---
"""Pipeline reference for scband-sstmodel-46308337385627 (READ-ONLY COPY).

The authoritative reference and input builder live on the scoring server;
editing this copy changes nothing except your own understanding.
"""

import jax, jax.numpy as jnp
import numpy as np

VOCAB = 100000
EMBED_DIM = 64
NUM_CLASSES = 5
BATCH = 4096
SEQ = 200


def setup_inputs(seed: int = 0) -> dict:
    key = jax.random.key(seed)
    k1, k2, k3, k4, k5 = jax.random.split(key, 5)
    text = jax.random.randint(k1, (BATCH, SEQ), 0, VOCAB)
    offsets = jax.random.randint(k2, (BATCH,), 0, SEQ)
    emb = jax.random.normal(k3, (VOCAB, EMBED_DIM), dtype=jnp.float32)
    # nn.Embedding padding_idx=1 initializes that row to zero
    emb = emb.at[1].set(0.0)
    W = jax.random.normal(k4, (NUM_CLASSES, EMBED_DIM), dtype=jnp.float32) * 0.05
    b = jax.random.normal(k5, (NUM_CLASSES,), dtype=jnp.float32) * 0.05
    return {"text": text, "offsets": offsets, "emb": emb, "W": W, "b": b}


def reference(text, offsets, emb, W, b):
    # embedded = self.embedding(text)  -> gather rows of table
    embedded = jnp.take(emb, text, axis=0)          # [B, L, D]
    # pooled = embedded.mean(dim=1)
    pooled = embedded.mean(axis=1)                  # [B, D]
    # return self.fc(pooled)
    out = pooled @ W.T + b                          # [B, num_classes]
    return out

if __name__ == "__main__":
    import jax
    _d = setup_inputs()
    print(jax.jit(kernel)(*tuple(_d.values())))

</pallas_src>

<mosaic_0001>
#map = affine_map<(d0, d1) -> (0, 0, 0, 0)>
#map1 = affine_map<(d0, d1) -> (0)>
#map2 = affine_map<(d0, d1) -> (0, 0)>
module attributes {stable_mosaic.version = 14 : i64} {
  func.func @sc_kernel(%arg0: i32, %arg1: i32, %arg2: memref<25x32x8x128xi32, #tpu.memory_space<hbm>>, %arg3: memref<16xf32, #tpu.memory_space<hbm>>, %arg4: memref<102400x16xf32, #tpu.memory_space<hbm>>, %arg5: memref<16x4096xf32, #tpu.memory_space<hbm>>, %arg6: memref<25x8x128xi32, #tpu.memory_space<vmem>>, %arg7: memref<25600xi32, #tpu.memory_space<vmem>>, %arg8: memref<2x1600x16xf32, #tpu.memory_space<vmem>>, %arg9: memref<16x128xf32, #tpu.memory_space<vmem>>, %arg10: memref<16xf32, #tpu.memory_space<vmem>>, %arg11: memref<!tpu.dma_semaphore, #tpu.memory_space<semaphore_mem>>, %arg12: memref<!tpu.dma_semaphore, #tpu.memory_space<semaphore_mem>>) attributes {dimension_semantics = [#tpu.dimension_semantics<core_parallel>, #tpu.dimension_semantics<subcore_parallel>], iteration_bounds = array<i64: 2, 16>, scalar_prefetch = 0 : i64, scratch_operands = 7 : i64, tpu.core_type = #tpu.core_type<sc_vector_subcore>, window_params = [{transform_indices = #map}, {transform_indices = #map1}, {transform_indices = #map2}, {transform_indices = #map2}]} {
    %mul3A = arith.constant 2 : i32
    %mul3A_0 = arith.muli %arg1, %mul3A : i32
    %add3A = arith.addi %mul3A_0, %arg0 : i32
    %mul3A_1 = arith.constant 128 : i32
    %mul3A_2 = arith.muli %add3A, %mul3A_1 : i32
    "tpu.region"() ({
      %run_scoped3A = tpu.sem_alloc : memref<!tpu.dma_semaphore, #tpu.memory_space<semaphore_mem>>
      %dma_start3A_280 = arith.constant 0 : i32
      %dma_start3A_281 = arith.constant 0 : i32
      %dma_start3A_282 = arith.constant 0 : i32
      %dma_start3A_283 = tpu.memref_slice %arg2[%dma_start3A_280, %add3A, %dma_start3A_281, %dma_start3A_282] : memref<25x32x8x128xi32, #tpu.memory_space<hbm>> -> memref<25x1x8x128xi32, #tpu.memory_space<hbm>>
      %dma_start3A_284 = tpu.memref_squeeze %dma_start3A_283 : memref<25x1x8x128xi32, #tpu.memory_space<hbm>> -> memref<25x8x128xi32, #tpu.memory_space<hbm>>
      %dma_start3A_285 = arith.constant 0 : i32
      %dma_start3A_286 = arith.constant 0 : i32
      %dma_start3A_287 = arith.constant 0 : i32
      %dma_start3A_288 = tpu.memref_slice %arg2[%dma_start3A_285, %add3A, %dma_start3A_286, %dma_start3A_287] : memref<25x32x8x128xi32, #tpu.memory_space<hbm>> -> memref<25x1x8x128xi32, #tpu.memory_space<hbm>>
      %dma_start3A_289 = tpu.memref_squeeze %dma_start3A_288 : memref<25x1x8x128xi32, #tpu.memory_space<hbm>> -> memref<25x8x128xi32, #tpu.memory_space<hbm>>
      tpu.enqueue_dma source(%dma_start3A_289 : memref<25x8x128xi32, #tpu.memory_space<hbm>>) target(%arg6 : memref<25x8x128xi32, #tpu.memory_space<vmem>>) target_semaphore(%run_scoped3A : memref<!tpu.dma_semaphore, #tpu.memory_space<semaphore_mem>>)
      %dma_wait3A = arith.constant 0 : i32
      %dma_wait3A_290 = arith.constant 0 : i32
      %dma_wait3A_291 = arith.constant 0 : i32
      %dma_wait3A_292 = tpu.memref_slice %arg2[%dma_wait3A, %add3A, %dma_wait3A_290, %dma_wait3A_291] : memref<25x32x8x128xi32, #tpu.memory_space<hbm>> -> memref<25x1x8x128xi32, #tpu.memory_space<hbm>>
      %dma_wait3A_293 = tpu.memref_squeeze %dma_wait3A_292 : memref<25x1x8x128xi32, #tpu.memory_space<hbm>> -> memref<25x8x128xi32, #tpu.memory_space<hbm>>
      %dma_wait3A_294 = arith.constant 0 : i32
      %dma_wait3A_295 = arith.constant 0 : i32
      %dma_wait3A_296 = arith.constant 0 : i32
      %dma_wait3A_297 = tpu.memref_slice %arg2[%dma_wait3A_294, %add3A, %dma_wait3A_295, %dma_wait3A_296] : memref<25x32x8x128xi32, #tpu.memory_space<hbm>> -> memref<25x1x8x128xi32, #tpu.memory_space<hbm>>
      %dma_wait3A_298 = tpu.memref_squeeze %dma_wait3A_297 : memref<25x1x8x128xi32, #tpu.memory_space<hbm>> -> memref<25x8x128xi32, #tpu.memory_space<hbm>>
      tpu.wait_dma2 semaphore(%run_scoped3A : memref<!tpu.dma_semaphore, #tpu.memory_space<semaphore_mem>>) src(%dma_wait3A_298 : memref<25x8x128xi32, #tpu.memory_space<hbm>>) dst(%arg6 : memref<25x8x128xi32, #tpu.memory_space<vmem>>)
      tpu.yield
    }) : () -> ()
    "tpu.region"() ({
      %run_scoped3A = tpu.sem_alloc : memref<!tpu.dma_semaphore, #tpu.memory_space<semaphore_mem>>
      tpu.enqueue_dma source(%arg3 : memref<16xf32, #tpu.memory_space<hbm>>) target(%arg10 : memref<16xf32, #tpu.memory_space<vmem>>) target_semaphore(%run_scoped3A : memref<!tpu.dma_semaphore, #tpu.memory_space<semaphore_mem>>)
      tpu.wait_dma2 semaphore(%run_scoped3A : memref<!tpu.dma_semaphore, #tpu.memory_space<semaphore_mem>>) src(%arg3 : memref<16xf32, #tpu.memory_space<hbm>>) dst(%arg10 : memref<16xf32, #tpu.memory_space<vmem>>)
      tpu.yield
    }) : () -> ()
    %get3A = arith.constant 0 : index
    %get3A_3 = tpu.vector_load %arg10[%get3A] {strides = array<i32>} : memref<16xf32, #tpu.memory_space<vmem>>, vector<16xf32>,
    %iota3A = tpu.iota {dimensions = array<i32: 0>} : vector<16xi32>
    %mul3A_4 = arith.constant 200 : i32
    %mul3A_5 = vector.broadcast %mul3A_4 : i32 to vector<16xi32>
    %mul3A_6 = arith.muli %iota3A, %mul3A_5 : vector<16xi32>
    %iota3A_7 = tpu.iota {dimensions = array<i32: 0>} : vector<16xi32>
    %scan3A = arith.constant 0 : i32
    %scan3A_8 = arith.constant 0 : i32
    %scan3A_9 = arith.constant 200 : i32
    %scan3A_10 = arith.addi %scan3A_8, %scan3A_9 : i32
    %scan3A_11 = arith.constant 1 : i32
    %scan3A_12 = scf.for %scan3A_280 = %scan3A_8 to %scan3A_10 step %scan3A_11 iter_args(%scan3A_281 = %scan3A) -> (i32)  : i32 {
      %shift_right_arithmetic3A = arith.constant 3 : i32
      %shift_right_arithmetic3A_282 = arith.shrsi %scan3A_280, %shift_right_arithmetic3A : i32
      %and3A = arith.constant 7 : i32
      %and3A_283 = arith.andi %scan3A_280, %and3A : i32
      %get3A_284 = arith.index_cast %shift_right_arithmetic3A_282 : i32 to index
      %get3A_285 = arith.index_cast %and3A_283 : i32 to index
      %get3A_286 = arith.constant 0 : index
      %get3A_287 = tpu.vector_load %arg6[%get3A_284, %get3A_285, %get3A_286] {strides = array<i32>} : memref<25x8x128xi32, #tpu.memory_space<vmem>>, vector<16xi32>,
      %shift_right_logical3A = arith.constant 9 : i32
      %shift_right_logical3A_288 = vector.broadcast %shift_right_logical3A : i32 to vector<16xi32>
      %shift_right_logical3A_289 = arith.shrui %get3A_287, %shift_right_logical3A_288 : vector<16xi32>
      %mul3A_290 = arith.constant 1311 : i32
      %mul3A_291 = vector.broadcast %mul3A_290 : i32 to vector<16xi32>
      %mul3A_292 = arith.muli %shift_right_logical3A_289, %mul3A_291 : vector<16xi32>
      %shift_right_logical3A_293 = arith.constant 15 : i32
      %shift_right_logical3A_294 = vector.broadcast %shift_right_logical3A_293 : i32 to vector<16xi32>
      %shift_right_logical3A_295 = arith.shrui %mul3A_292, %shift_right_logical3A_294 : vector<16xi32>
      %mul3A_296 = arith.constant 12800 : i32
      %mul3A_297 = vector.broadcast %mul3A_296 : i32 to vector<16xi32>
      %mul3A_298 = arith.muli %shift_right_logical3A_295, %mul3A_297 : vector<16xi32>
      %sub3A = arith.subi %get3A_287, %mul3A_298 : vector<16xi32>
      %shift_left3A = arith.constant 3 : i32
      %shift_left3A_299 = vector.broadcast %shift_left3A : i32 to vector<16xi32>
      %shift_left3A_300 = arith.shli %sub3A, %shift_left3A_299 : vector<16xi32>
      %or3A = arith.ori %shift_left3A_300, %shift_right_logical3A_295 : vector<16xi32>
      %add3A_301 = arith.constant 0 : i32
      %add3A_302 = arith.addi %scan3A_280, %add3A_301 : i32
      %add3A_303 = vector.broadcast %add3A_302 : i32 to vector<16xi32>
      %add3A_304 = arith.addi %mul3A_6, %add3A_303 : vector<16xi32>
      tpu.vector_store_idx %arg7[%add3A_304], %or3A : memref<25600xi32, #tpu.memory_space<vmem>>[vector<16xi32>], vector<16xi32>,
      %scan3A_305 = arith.constant 0 : i32
      scf.yield %scan3A_305 : i32
    }
    %scan3A_13 = arith.constant 200 : i32
    %dma_start3A = arith.constant 0 : i32
    %dma_start3A_14 = arith.constant 0 : i32
    %dma_start3A_15 = arith.constant 0 : i32
    %dma_start3A_16 = tpu.memref_slice %arg8[%dma_start3A, %dma_start3A_14, %dma_start3A_15] : memref<2x1600x16xf32, #tpu.memory_space<vmem>> -> memref<1x128x16xf32, #tpu.memory_space<vmem>>
    %dma_start3A_17 = tpu.memref_squeeze %dma_start3A_16 : memref<1x128x16xf32, #tpu.memory_space<vmem>> -> memref<128x16xf32, #tpu.memory_space<vmem>>
    %dma_start3A_18 = arith.constant 0 : i32
    %dma_start3A_19 = tpu.memref_slice %arg7[%dma_start3A_18] : memref<25600xi32, #tpu.memory_space<vmem>> -> memref<128xi32, #tpu.memory_space<vmem>>
    %dma_start3A_20 = arith.constant 0 : i32
    %dma_start3A_21 = arith.constant 0 : i32
    %dma_start3A_22 = tpu.memref_slice %arg4[%dma_start3A_20, %dma_start3A_21] : memref<102400x16xf32, #tpu.memory_space<hbm>> -> memref<102400x16xf32, #tpu.memory_space<hbm>>
    tpu.enqueue_indirect_dma source(%dma_start3A_22 : memref<102400x16xf32, #tpu.memory_space<hbm>>) target(%dma_start3A_17 : memref<128x16xf32, #tpu.memory_space<vmem>>) offsets(%dma_start3A_19 : memref<128xi32, #tpu.memory_space<vmem>>) semaphore(%arg11 : memref<!tpu.dma_semaphore, #tpu.memory_space<semaphore_mem>>)
    %dma_start3A_23 = arith.constant 0 : i32
    %dma_start3A_24 = arith.constant 128 : i32
    %dma_start3A_25 = arith.constant 0 : i32
    %dma_start3A_26 = tpu.memref_slice %arg8[%dma_start3A_23, %dma_start3A_24, %dma_start3A_25] : memref<2x1600x16xf32, #tpu.memory_space<vmem>> -> memref<1x128x16xf32, #tpu.memory_space<vmem>>
    %dma_start3A_27 = tpu.memref_squeeze %dma_start3A_26 : memref<1x128x16xf32, #tpu.memory_space<vmem>> -> memref<128x16xf32, #tpu.memory_space<vmem>>
    %dma_start3A_28 = arith.constant 128 : i32
    %dma_start3A_29 = tpu.memref_slice %arg7[%dma_start3A_28] : memref<25600xi32, #tpu.memory_space<vmem>> -> memref<128xi32, #tpu.memory_space<vmem>>
    %dma_start3A_30 = arith.constant 0 : i32
    %dma_start3A_31 = arith.constant 0 : i32
    %dma_start3A_32 = tpu.memref_slice %arg4[%dma_start3A_30, %dma_start3A_31] : memref<102400x16xf32, #tpu.memory_space<hbm>> -> memref<102400x16xf32, #tpu.memory_space<hbm>>
    tpu.enqueue_indirect_dma source(%dma_start3A_32 : memref<102400x16xf32, #tpu.memory_space<hbm>>) target(%dma_start3A_27 : memref<128x16xf32, #tpu.memory_space<vmem>>) offsets(%dma_start3A_29 : memref<128xi32, #tpu.memory_space<vmem>>) semaphore(%arg11 : memref<!tpu.dma_semaphore, #tpu.memory_space<semaphore_mem>>)
    %dma_start3A_33 = arith.constant 0 : i32
    %dma_start3A_34 = arith.constant 256 : i32
    %dma_start3A_35 = arith.constant 0 : i32
    %dma_start3A_36 = tpu.memref_slice %arg8[%dma_start3A_33, %dma_start3A_34, %dma_start3A_35] : memref<2x1600x16xf32, #tpu.memory_space<vmem>> -> memref<1x128x16xf32, #tpu.memory_space<vmem>>
    %dma_start3A_37 = tpu.memref_squeeze %dma_start3A_36 : memref<1x128x16xf32, #tpu.memory_space<vmem>> -> memref<128x16xf32, #tpu.memory_space<vmem>>
    %dma_start3A_38 = arith.constant 256 : i32
    %dma_start3A_39 = tpu.memref_slice %arg7[%dma_start3A_38] : memref<25600xi32, #tpu.memory_space<vmem>> -> memref<128xi32, #tpu.memory_space<vmem>>
    %dma_start3A_40 = arith.constant 0 : i32
    %dma_start3A_41 = arith.constant 0 : i32
    %dma_start3A_42 = tpu.memref_slice %arg4[%dma_start3A_40, %dma_start3A_41] : memref<102400x16xf32, #tpu.memory_space<hbm>> -> memref<102400x16xf32, #tpu.memory_space<hbm>>
    tpu.enqueue_indirect_dma source(%dma_start3A_42 : memref<102400x16xf32, #tpu.memory_space<hbm>>) target(%dma_start3A_37 : memref<128x16xf32, #tpu.memory_space<vmem>>) offsets(%dma_start3A_39 : memref<128xi32, #tpu.memory_space<vmem>>) semaphore(%arg11 : memref<!tpu.dma_semaphore, #tpu.memory_space<semaphore_mem>>)
    %dma_start3A_43 = arith.constant 0 : i32
    %dma_start3A_44 = arith.constant 384 : i32
    %dma_start3A_45 = arith.constant 0 : i32
    %dma_start3A_46 = tpu.memref_slice %arg8[%dma_start3A_43, %dma_start3A_44, %dma_start3A_45] : memref<2x1600x16xf32, #tpu.memory_space<vmem>> -> memref<1x128x16xf32, #tpu.memory_space<vmem>>
    %dma_start3A_47 = tpu.memref_squeeze %dma_start3A_46 : memref<1x128x16xf32, #tpu.memory_space<vmem>> -> memref<128x16xf32, #tpu.memory_space<vmem>>
    %dma_start3A_48 = arith.constant 384 : i32
    %dma_start3A_49 = tpu.memref_slice %arg7[%dma_start3A_48] : memref<25600xi32, #tpu.memory_space<vmem>> -> memref<128xi32, #tpu.memory_space<vmem>>
    %dma_start3A_50 = arith.constant 0 : i32
    %dma_start3A_51 = arith.constant 0 : i32
    %dma_start3A_52 = tpu.memref_slice %arg4[%dma_start3A_50, %dma_start3A_51] : memref<102400x16xf32, #tpu.memory_space<hbm>> -> memref<102400x16xf32, #tpu.memory_space<hbm>>
    tpu.enqueue_indirect_dma source(%dma_start3A_52 : memref<102400x16xf32, #tpu.memory_space<hbm>>) target(%dma_start3A_47 : memref<128x16xf32, #tpu.memory_space<vmem>>) offsets(%dma_start3A_49 : memref<128xi32, #tpu.memory_space<vmem>>) semaphore(%arg11 : memref<!tpu.dma_semaphore, #tpu.memory_space<semaphore_mem>>)
    %dma_start3A_53 = arith.constant 0 : i32
    %dma_start3A_54 = arith.constant 512 : i32
    %dma_start3A_55 = arith.constant 0 : i32
    %dma_start3A_56 = tpu.memref_slice %arg8[%dma_start3A_53, %dma_start3A_54, %dma_start3A_55] : memref<2x1600x16xf32, #tpu.memory_space<vmem>> -> memref<1x128x16xf32, #tpu.memory_space<vmem>>
    %dma_start3A_57 = tpu.memref_squeeze %dma_start3A_56 : memref<1x128x16xf32, #tpu.memory_space<vmem>> -> memref<128x16xf32, #tpu.memory_space<vmem>>
    %dma_start3A_58 = arith.constant 512 : i32
    %dma_start3A_59 = tpu.memref_slice %arg7[%dma_start3A_58] : memref<25600xi32, #tpu.memory_space<vmem>> -> memref<128xi32, #tpu.memory_space<vmem>>
    %dma_start3A_60 = arith.constant 0 : i32
    %dma_start3A_61 = arith.constant 0 : i32
    %dma_start3A_62 = tpu.memref_slice %arg4[%dma_start3A_60, %dma_start3A_61] : memref<102400x16xf32, #tpu.memory_space<hbm>> -> memref<102400x16xf32, #tpu.memory_space<hbm>>
    tpu.enqueue_indirect_dma source(%dma_start3A_62 : memref<102400x16xf32, #tpu.memory_space<hbm>>) target(%dma_start3A_57 : memref<128x16xf32, #tpu.memory_space<vmem>>) offsets(%dma_start3A_59 : memref<128xi32, #tpu.memory_space<vmem>>) semaphore(%arg11 : memref<!tpu.dma_semaphore, #tpu.memory_space<semaphore_mem>>)
    %dma_start3A_63 = arith.constant 0 : i32
    %dma_start3A_64 = arith.constant 640 : i32
    %dma_start3A_65 = arith.constant 0 : i32
    %dma_start3A_66 = tpu.memref_slice %arg8[%dma_start3A_63, %dma_start3A_64, %dma_start3A_65] : memref<2x1600x16xf32, #tpu.memory_space<vmem>> -> memref<1x128x16xf32, #tpu.memory_space<vmem>>
    %dma_start3A_67 = tpu.memref_squeeze %dma_start3A_66 : memref<1x128x16xf32, #tpu.memory_space<vmem>> -> memref<128x16xf32, #tpu.memory_space<vmem>>
    %dma_start3A_68 = arith.constant 640 : i32
    %dma_start3A_69 = tpu.memref_slice %arg7[%dma_start3A_68] : memref<25600xi32, #tpu.memory_space<vmem>> -> memref<128xi32, #tpu.memory_space<vmem>>
    %dma_start3A_70 = arith.constant 0 : i32
    %dma_start3A_71 = arith.constant 0 : i32
    %dma_start3A_72 = tpu.memref_slice %arg4[%dma_start3A_70, %dma_start3A_71] : memref<102400x16xf32, #tpu.memory_space<hbm>> -> memref<102400x16xf32, #tpu.memory_space<hbm>>
    tpu.enqueue_indirect_dma source(%dma_start3A_72 : memref<102400x16xf32, #tpu.memory_space<hbm>>) target(%dma_start3A_67 : memref<128x16xf32, #tpu.memory_space<vmem>>) offsets(%dma_start3A_69 : memref<128xi32, #tpu.memory_space<vmem>>) semaphore(%arg11 : memref<!tpu.dma_semaphore, #tpu.memory_space<semaphore_mem>>)
    %dma_start3A_73 = arith.constant 0 : i32
    %dma_start3A_74 = arith.constant 768 : i32
    %dma_start3A_75 = arith.constant 0 : i32
    %dma_start3A_76 = tpu.memref_slice %arg8[%dma_start3A_73, %dma_start3A_74, %dma_start3A_75] : memref<2x1600x16xf32, #tpu.memory_space<vmem>> -> memref<1x128x16xf32, #tpu.memory_space<vmem>>
    %dma_start3A_77 = tpu.memref_squeeze %dma_start3A_76 : memref<1x128x16xf32, #tpu.memory_space<vmem>> -> memref<128x16xf32, #tpu.memory_space<vmem>>
    %dma_start3A_78 = arith.constant 768 : i32
    %dma_start3A_79 = tpu.memref_slice %arg7[%dma_start3A_78] : memref<25600xi32, #tpu.memory_space<vmem>> -> memref<128xi32, #tpu.memory_space<vmem>>
    %dma_start3A_80 = arith.constant 0 : i32
    %dma_start3A_81 = arith.constant 0 : i32
    %dma_start3A_82 = tpu.memref_slice %arg4[%dma_start3A_80, %dma_start3A_81] : memref<102400x16xf32, #tpu.memory_space<hbm>> -> memref<102400x16xf32, #tpu.memory_space<hbm>>
    tpu.enqueue_indirect_dma source(%dma_start3A_82 : memref<102400x16xf32, #tpu.memory_space<hbm>>) target(%dma_start3A_77 : memref<128x16xf32, #tpu.memory_space<vmem>>) offsets(%dma_start3A_79 : memref<128xi32, #tpu.memory_space<vmem>>) semaphore(%arg11 : memref<!tpu.dma_semaphore, #tpu.memory_space<semaphore_mem>>)
    %dma_start3A_83 = arith.constant 0 : i32
    %dma_start3A_84 = arith.constant 896 : i32
    %dma_start3A_85 = arith.constant 0 : i32
    %dma_start3A_86 = tpu.memref_slice %arg8[%dma_start3A_83, %dma_start3A_84, %dma_start3A_85] : memref<2x1600x16xf32, #tpu.memory_space<vmem>> -> memref<1x128x16xf32, #tpu.memory_space<vmem>>
    %dma_start3A_87 = tpu.memref_squeeze %dma_start3A_86 : memref<1x128x16xf32, #tpu.memory_space<vmem>> -> memref<128x16xf32, #tpu.memory_space<vmem>>
    %dma_start3A_88 = arith.constant 896 : i32
    %dma_start3A_89 = tpu.memref_slice %arg7[%dma_start3A_88] : memref<25600xi32, #tpu.memory_space<vmem>> -> memref<128xi32, #tpu.memory_space<vmem>>
    %dma_start3A_90 = arith.constant 0 : i32
    %dma_start3A_91 = arith.constant 0 : i32
    %dma_start3A_92 = tpu.memref_slice %arg4[%dma_start3A_90, %dma_start3A_91] : memref<102400x16xf32, #tpu.memory_space<hbm>> -> memref<102400x16xf32, #tpu.memory_space<hbm>>
    tpu.enqueue_indirect_dma source(%dma_start3A_92 : memref<102400x16xf32, #tpu.memory_space<hbm>>) target(%dma_start3A_87 : memref<128x16xf32, #tpu.memory_space<vmem>>) offsets(%dma_start3A_89 : memref<128xi32, #tpu.memory_space<vmem>>) semaphore(%arg11 : memref<!tpu.dma_semaphore, #tpu.memory_space<semaphore_mem>>)
    %dma_start3A_93 = arith.constant 0 : i32
    %dma_start3A_94 = arith.constant 1024 : i32
    %dma_start3A_95 = arith.constant 0 : i32
    %dma_start3A_96 = tpu.memref_slice %arg8[%dma_start3A_93, %dma_start3A_94, %dma_start3A_95] : memref<2x1600x16xf32, #tpu.memory_space<vmem>> -> memref<1x128x16xf32, #tpu.memory_space<vmem>>
    %dma_start3A_97 = tpu.memref_squeeze %dma_start3A_96 : memref<1x128x16xf32, #tpu.memory_space<vmem>> -> memref<128x16xf32, #tpu.memory_space<vmem>>
    %dma_start3A_98 = arith.constant 1024 : i32
    %dma_start3A_99 = tpu.memref_slice %arg7[%dma_start3A_98] : memref<25600xi32, #tpu.memory_space<vmem>> -> memref<128xi32, #tpu.memory_space<vmem>>
    %dma_start3A_100 = arith.constant 0 : i32
    %dma_start3A_101 = arith.constant 0 : i32
    %dma_start3A_102 = tpu.memref_slice %arg4[%dma_start3A_100, %dma_start3A_101] : memref<102400x16xf32, #tpu.memory_space<hbm>> -> memref<102400x16xf32, #tpu.memory_space<hbm>>
    tpu.enqueue_indirect_dma source(%dma_start3A_102 : memref<102400x16xf32, #tpu.memory_space<hbm>>) target(%dma_start3A_97 : memref<128x16xf32, #tpu.memory_space<vmem>>) offsets(%dma_start3A_99 : memref<128xi32, #tpu.memory_space<vmem>>) semaphore(%arg11 : memref<!tpu.dma_semaphore, #tpu.memory_space<semaphore_mem>>)
    %dma_start3A_103 = arith.constant 0 : i32
    %dma_start3A_104 = arith.constant 1152 : i32
    %dma_start3A_105 = arith.constant 0 : i32
    %dma_start3A_106 = tpu.memref_slice %arg8[%dma_start3A_103, %dma_start3A_104, %dma_start3A_105] : memref<2x1600x16xf32, #tpu.memory_space<vmem>> -> memref<1x128x16xf32, #tpu.memory_space<vmem>>
    %dma_start3A_107 = tpu.memref_squeeze %dma_start3A_106 : memref<1x128x16xf32, #tpu.memory_space<vmem>> -> memref<128x16xf32, #tpu.memory_space<vmem>>
    %dma_start3A_108 = arith.constant 1152 : i32
    %dma_start3A_109 = tpu.memref_slice %arg7[%dma_start3A_108] : memref<25600xi32, #tpu.memory_space<vmem>> -> memref<128xi32, #tpu.memory_space<vmem>>
    %dma_start3A_110 = arith.constant 0 : i32
    %dma_start3A_111 = arith.constant 0 : i32
    %dma_start3A_112 = tpu.memref_slice %arg4[%dma_start3A_110, %dma_start3A_111] : memref<102400x16xf32, #tpu.memory_space<hbm>> -> memref<102400x16xf32, #tpu.memory_space<hbm>>
    tpu.enqueue_indirect_dma source(%dma_start3A_112 : memref<102400x16xf32, #tpu.memory_space<hbm>>) target(%dma_start3A_107 : memref<128x16xf32, #tpu.memory_space<vmem>>) offsets(%dma_start3A_109 : memref<128xi32, #tpu.memory_space<vmem>>) semaphore(%arg11 : memref<!tpu.dma_semaphore, #tpu.memory_space<semaphore_mem>>)
    %dma_start3A_113 = arith.constant 0 : i32
    %dma_start3A_114 = arith.constant 1280 : i32
    %dma_start3A_115 = arith.constant 0 : i32
    %dma_start3A_116 = tpu.memref_slice %arg8[%dma_start3A_113, %dma_start3A_114, %dma_start3A_115] : memref<2x1600x16xf32, #tpu.memory_space<vmem>> -> memref<1x128x16xf32, #tpu.memory_space<vmem>>
    %dma_start3A_117 = tpu.memref_squeeze %dma_start3A_116 : memref<1x128x16xf32, #tpu.memory_space<vmem>> -> memref<128x16xf32, #tpu.memory_space<vmem>>
    %dma_start3A_118 = arith.constant 1280 : i32
    %dma_start3A_119 = tpu.memref_slice %arg7[%dma_start3A_118] : memref<25600xi32, #tpu.memory_space<vmem>> -> memref<128xi32, #tpu.memory_space<vmem>>
    %dma_start3A_120 = arith.constant 0 : i32
    %dma_start3A_121 = arith.constant 0 : i32
    %dma_start3A_122 = tpu.memref_slice %arg4[%dma_start3A_120, %dma_start3A_121] : memref<102400x16xf32, #tpu.memory_space<hbm>> -> memref<102400x16xf32, #tpu.memory_space<hbm>>
    tpu.enqueue_indirect_dma source(%dma_start3A_122 : memref<102400x16xf32, #tpu.memory_space<hbm>>) target(%dma_start3A_117 : memref<128x16xf32, #tpu.memory_space<vmem>>) offsets(%dma_start3A_119 : memref<128xi32, #tpu.memory_space<vmem>>) semaphore(%arg11 : memref<!tpu.dma_semaphore, #tpu.memory_space<semaphore_mem>>)
    %dma_start3A_123 = arith.constant 0 : i32
    %dma_start3A_124 = arith.constant 1408 : i32
    %dma_start3A_125 = arith.constant 0 : i32
    %dma_start3A_126 = tpu.memref_slice %arg8[%dma_start3A_123, %dma_start3A_124, %dma_start3A_125] : memref<2x1600x16xf32, #tpu.memory_space<vmem>> -> memref<1x128x16xf32, #tpu.memory_space<vmem>>
    %dma_start3A_127 = tpu.memref_squeeze %dma_start3A_126 : memref<1x128x16xf32, #tpu.memory_space<vmem>> -> memref<128x16xf32, #tpu.memory_space<vmem>>
    %dma_start3A_128 = arith.constant 1408 : i32
    %dma_start3A_129 = tpu.memref_slice %arg7[%dma_start3A_128] : memref<25600xi32, #tpu.memory_space<vmem>> -> memref<128xi32, #tpu.memory_space<vmem>>
    %dma_start3A_130 = arith.constant 0 : i32
    %dma_start3A_131 = arith.constant 0 : i32
    %dma_start3A_132 = tpu.memref_slice %arg4[%dma_start3A_130, %dma_start3A_131] : memref<102400x16xf32, #tpu.memory_space<hbm>> -> memref<102400x16xf32, #tpu.memory_space<hbm>>
    tpu.enqueue_indirect_dma source(%dma_start3A_132 : memref<102400x16xf32, #tpu.memory_space<hbm>>) target(%dma_start3A_127 : memref<128x16xf32, #tpu.memory_space<vmem>>) offsets(%dma_start3A_129 : memref<128xi32, #tpu.memory_space<vmem>>) semaphore(%arg11 : memref<!tpu.dma_semaphore, #tpu.memory_space<semaphore_mem>>)
    %dma_start3A_133 = arith.constant 0 : i32
    %dma_start3A_134 = arith.constant 1536 : i32
    %dma_start3A_135 = arith.constant 0 : i32
    %dma_start3A_136 = tpu.memref_slice %arg8[%dma_start3A_133, %dma_start3A_134, %dma_start3A_135] : memref<2x1600x16xf32, #tpu.memory_space<vmem>> -> memref<1x64x16xf32, #tpu.memory_space<vmem>>
    %dma_start3A_137 = tpu.memref_squeeze %dma_start3A_136 : memref<1x64x16xf32, #tpu.memory_space<vmem>> -> memref<64x16xf32, #tpu.memory_space<vmem>>
    %dma_start3A_138 = arith.constant 1536 : i32
    %dma_start3A_139 = tpu.memref_slice %arg7[%dma_start3A_138] : memref<25600xi32, #tpu.memory_space<vmem>> -> memref<64xi32, #tpu.memory_space<vmem>>
    %dma_start3A_140 = arith.constant 0 : i32
    %dma_start3A_141 = arith.constant 0 : i32
    %dma_start3A_142 = tpu.memref_slice %arg4[%dma_start3A_140, %dma_start3A_141] : memref<102400x16xf32, #tpu.memory_space<hbm>> -> memref<102400x16xf32, #tpu.memory_space<hbm>>
    tpu.enqueue_indirect_dma source(%dma_start3A_142 : memref<102400x16xf32, #tpu.memory_space<hbm>>) target(%dma_start3A_137 : memref<64x16xf32, #tpu.memory_space<vmem>>) offsets(%dma_start3A_139 : memref<64xi32, #tpu.memory_space<vmem>>) semaphore(%arg11 : memref<!tpu.dma_semaphore, #tpu.memory_space<semaphore_mem>>)
    %dma_start3A_143 = arith.constant 1 : i32
    %dma_start3A_144 = arith.constant 0 : i32
    %dma_start3A_145 = arith.constant 0 : i32
    %dma_start3A_146 = tpu.memref_slice %arg8[%dma_start3A_143, %dma_start3A_144, %dma_start3A_145] : memref<2x1600x16xf32, #tpu.memory_space<vmem>> -> memref<1x128x16xf32, #tpu.memory_space<vmem>>
    %dma_start3A_147 = tpu.memref_squeeze %dma_start3A_146 : memref<1x128x16xf32, #tpu.memory_space<vmem>> -> memref<128x16xf32, #tpu.memory_space<vmem>>
    %dma_start3A_148 = arith.constant 1600 : i32
    %dma_start3A_149 = tpu.memref_slice %arg7[%dma_start3A_148] : memref<25600xi32, #tpu.memory_space<vmem>> -> memref<128xi32, #tpu.memory_space<vmem>>
    %dma_start3A_150 = arith.constant 0 : i32
    %dma_start3A_151 = arith.constant 0 : i32
    %dma_start3A_152 = tpu.memref_slice %arg4[%dma_start3A_150, %dma_start3A_151] : memref<102400x16xf32, #tpu.memory_space<hbm>> -> memref<102400x16xf32, #tpu.memory_space<hbm>>
    tpu.enqueue_indirect_dma source(%dma_start3A_152 : memref<102400x16xf32, #tpu.memory_space<hbm>>) target(%dma_start3A_147 : memref<128x16xf32, #tpu.memory_space<vmem>>) offsets(%dma_start3A_149 : memref<128xi32, #tpu.memory_space<vmem>>) semaphore(%arg12 : memref<!tpu.dma_semaphore, #tpu.memory_space<semaphore_mem>>)
    %dma_start3A_153 = arith.constant 1 : i32
    %dma_start3A_154 = arith.constant 128 : i32
    %dma_start3A_155 = arith.constant 0 : i32
    %dma_start3A_156 = tpu.memref_slice %arg8[%dma_start3A_153, %dma_start3A_154, %dma_start3A_155] : memref<2x1600x16xf32, #tpu.memory_space<vmem>> -> memref<1x128x16xf32, #tpu.memory_space<vmem>>
    %dma_start3A_157 = tpu.memref_squeeze %dma_start3A_156 : memref<1x128x16xf32, #tpu.memory_space<vmem>> -> memref<128x16xf32, #tpu.memory_space<vmem>>
    %dma_start3A_158 = arith.constant 1728 : i32
    %dma_start3A_159 = tpu.memref_slice %arg7[%dma_start3A_158] : memref<25600xi32, #tpu.memory_space<vmem>> -> memref<128xi32, #tpu.memory_space<vmem>>
    %dma_start3A_160 = arith.constant 0 : i32
    %dma_start3A_161 = arith.constant 0 : i32
    %dma_start3A_162 = tpu.memref_slice %arg4[%dma_start3A_160, %dma_start3A_161] : memref<102400x16xf32, #tpu.memory_space<hbm>> -> memref<102400x16xf32, #tpu.memory_space<hbm>>
    tpu.enqueue_indirect_dma source(%dma_start3A_162 : memref<102400x16xf32, #tpu.memory_space<hbm>>) target(%dma_start3A_157 : memref<128x16xf32, #tpu.memory_space<vmem>>) offsets(%dma_start3A_159 : memref<128xi32, #tpu.memory_space<vmem>>) semaphore(%arg12 : memref<!tpu.dma_semaphore, #tpu.memory_space<semaphore_mem>>)
    %dma_start3A_163 = arith.constant 1 : i32
    %dma_start3A_164 = arith.constant 256 : i32
    %dma_start3A_165 = arith.constant 0 : i32
    %dma_start3A_166 = tpu.memref_slice %arg8[%dma_start3A_163, %dma_start3A_164, %dma_start3A_165] : memref<2x1600x16xf32, #tpu.memory_space<vmem>> -> memref<1x128x16xf32, #tpu.memory_space<vmem>>
    %dma_start3A_167 = tpu.memref_squeeze %dma_start3A_166 : memref<1x128x16xf32, #tpu.memory_space<vmem>> -> memref<128x16xf32, #tpu.memory_space<vmem>>
    %dma_start3A_168 = arith.constant 1856 : i32
    %dma_start3A_169 = tpu.memref_slice %arg7[%dma_start3A_168] : memref<25600xi32, #tpu.memory_space<vmem>> -> memref<128xi32, #tpu.memory_space<vmem>>
    %dma_start3A_170 = arith.constant 0 : i32
    %dma_start3A_171 = arith.constant 0 : i32
    %dma_start3A_172 = tpu.memref_slice %arg4[%dma_start3A_170, %dma_start3A_171] : memref<102400x16xf32, #tpu.memory_space<hbm>> -> memref<102400x16xf32, #tpu.memory_space<hbm>>
    tpu.enqueue_indirect_dma source(%dma_start3A_172 : memref<102400x16xf32, #tpu.memory_space<hbm>>) target(%dma_start3A_167 : memref<128x16xf32, #tpu.memory_space<vmem>>) offsets(%dma_start3A_169 : memref<128xi32, #tpu.memory_space<vmem>>) semaphore(%arg12 : memref<!tpu.dma_semaphore, #tpu.memory_space<semaphore_mem>>)
    %dma_start3A_173 = arith.constant 1 : i32
    %dma_start3A_174 = arith.constant 384 : i32
    %dma_start3A_175 = arith.constant 0 : i32
    %dma_start3A_176 = tpu.memref_slice %arg8[%dma_start3A_173, %dma_start3A_174, %dma_start3A_175] : memref<2x1600x16xf32, #tpu.memory_space<vmem>> -> memref<1x128x16xf32, #tpu.memory_space<vmem>>
    %dma_start3A_177 = tpu.memref_squeeze %dma_start3A_176 : memref<1x128x16xf32, #tpu.memory_space<vmem>> -> memref<128x16xf32, #tpu.memory_space<vmem>>
    %dma_start3A_178 = arith.constant 1984 : i32
    %dma_start3A_179 = tpu.memref_slice %arg7[%dma_start3A_178] : memref<25600xi32, #tpu.memory_space<vmem>> -> memref<128xi32, #tpu.memory_space<vmem>>
    %dma_start3A_180 = arith.constant 0 : i32
    %dma_start3A_181 = arith.constant 0 : i32
    %dma_start3A_182 = tpu.memref_slice %arg4[%dma_start3A_180, %dma_start3A_181] : memref<102400x16xf32, #tpu.memory_space<hbm>> -> memref<102400x16xf32, #tpu.memory_space<hbm>>
    tpu.enqueue_indirect_dma source(%dma_start3A_182 : memref<102400x16xf32, #tpu.memory_space<hbm>>) target(%dma_start3A_177 : memref<128x16xf32, #tpu.memory_space<vmem>>) offsets(%dma_start3A_179 : memref<128xi32, #tpu.memory_space<vmem>>) semaphore(%arg12 : memref<!tpu.dma_semaphore, #tpu.memory_space<semaphore_mem>>)
    %dma_start3A_183 = arith.constant 1 : i32
    %dma_start3A_184 = arith.constant 512 : i32
    %dma_start3A_185 = arith.constant 0 : i32
    %dma_start3A_186 = tpu.memref_slice %arg8[%dma_start3A_183, %dma_start3A_184, %dma_start3A_185] : memref<2x1600x16xf32, #tpu.memory_space<vmem>> -> memref<1x128x16xf32, #tpu.memory_space<vmem>>
    %dma_start3A_187 = tpu.memref_squeeze %dma_start3A_186 : memref<1x128x16xf32, #tpu.memory_space<vmem>> -> memref<128x16xf32, #tpu.memory_space<vmem>>
    %dma_start3A_188 = arith.constant 2112 : i32
    %dma_start3A_189 = tpu.memref_slice %arg7[%dma_start3A_188] : memref<25600xi32, #tpu.memory_space<vmem>> -> memref<128xi32, #tpu.memory_space<vmem>>
    %dma_start3A_190 = arith.constant 0 : i32
    %dma_start3A_191 = arith.constant 0 : i32
    %dma_start3A_192 = tpu.memref_slice %arg4[%dma_start3A_190, %dma_start3A_191] : memref<102400x16xf32, #tpu.memory_space<hbm>> -> memref<102400x16xf32, #tpu.memory_space<hbm>>
    tpu.enqueue_indirect_dma source(%dma_start3A_192 : memref<102400x16xf32, #tpu.memory_space<hbm>>) target(%dma_start3A_187 : memref<128x16xf32, #tpu.memory_space<vmem>>) offsets(%dma_start3A_189 : memref<128xi32, #tpu.memory_space<vmem>>) semaphore(%arg12 : memref<!tpu.dma_semaphore, #tpu.memory_space<semaphore_mem>>)
    %dma_start3A_193 = arith.constant 1 : i32
    %dma_start3A_194 = arith.constant 640 : i32
    %dma_start3A_195 = arith.constant 0 : i32
    %dma_start3A_196 = tpu.memref_slice %arg8[%dma_start3A_193, %dma_start3A_194, %dma_start3A_195] : memref<2x1600x16xf32, #tpu.memory_space<vmem>> -> memref<1x128x16xf32, #tpu.memory_space<vmem>>
    %dma_start3A_197 = tpu.memref_squeeze %dma_start3A_196 : memref<1x128x16xf32, #tpu.memory_space<vmem>> -> memref<128x16xf32, #tpu.memory_space<vmem>>
    %dma_start3A_198 = arith.constant 2240 : i32
    %dma_start3A_199 = tpu.memref_slice %arg7[%dma_start3A_198] : memref<25600xi32, #tpu.memory_space<vmem>> -> memref<128xi32, #tpu.memory_space<vmem>>
    %dma_start3A_200 = arith.constant 0 : i32
    %dma_start3A_201 = arith.constant 0 : i32
    %dma_start3A_202 = tpu.memref_slice %arg4[%dma_start3A_200, %dma_start3A_201] : memref<102400x16xf32, #tpu.memory_space<hbm>> -> memref<102400x16xf32, #tpu.memory_space<hbm>>
    tpu.enqueue_indirect_dma source(%dma_start3A_202 : memref<102400x16xf32, #tpu.memory_space<hbm>>) target(%dma_start3A_197 : memref<128x16xf32, #tpu.memory_space<vmem>>) offsets(%dma_start3A_199 : memref<128xi32, #tpu.memory_space<vmem>>) semaphore(%arg12 : memref<!tpu.dma_semaphore, #tpu.memory_space<semaphore_mem>>)
    %dma_start3A_203 = arith.constant 1 : i32
    %dma_start3A_204 = arith.constant 768 : i32
    %dma_start3A_205 = arith.constant 0 : i32
    %dma_start3A_206 = tpu.memref_slice %arg8[%dma_start3A_203, %dma_start3A_204, %dma_start3A_205] : memref<2x1600x16xf32, #tpu.memory_space<vmem>> -> memref<1x128x16xf32, #tpu.memory_space<vmem>>
    %dma_start3A_207 = tpu.memref_squeeze %dma_start3A_206 : memref<1x128x16xf32, #tpu.memory_space<vmem>> -> memref<128x16xf32, #tpu.memory_space<vmem>>
    %dma_start3A_208 = arith.constant 2368 : i32
    %dma_start3A_209 = tpu.memref_slice %arg7[%dma_start3A_208] : memref<25600xi32, #tpu.memory_space<vmem>> -> memref<128xi32, #tpu.memory_space<vmem>>
    %dma_start3A_210 = arith.constant 0 : i32
    %dma_start3A_211 = arith.constant 0 : i32
    %dma_start3A_212 = tpu.memref_slice %arg4[%dma_start3A_210, %dma_start3A_211] : memref<102400x16xf32, #tpu.memory_space<hbm>> -> memref<102400x16xf32, #tpu.memory_space<hbm>>
    tpu.enqueue_indirect_dma source(%dma_start3A_212 : memref<102400x16xf32, #tpu.memory_space<hbm>>) target(%dma_start3A_207 : memref<128x16xf32, #tpu.memory_space<vmem>>) offsets(%dma_start3A_209 : memref<128xi32, #tpu.memory_space<vmem>>) semaphore(%arg12 : memref<!tpu.dma_semaphore, #tpu.memory_space<semaphore_mem>>)
    %dma_start3A_213 = arith.constant 1 : i32
    %dma_start3A_214 = arith.constant 896 : i32
    %dma_start3A_215 = arith.constant 0 : i32
    %dma_start3A_216 = tpu.memref_slice %arg8[%dma_start3A_213, %dma_start3A_214, %dma_start3A_215] : memref<2x1600x16xf32, #tpu.memory_space<vmem>> -> memref<1x128x16xf32, #tpu.memory_space<vmem>>
    %dma_start3A_217 = tpu.memref_squeeze %dma_start3A_216 : memref<1x128x16xf32, #tpu.memory_space<vmem>> -> memref<128x16xf32, #tpu.memory_space<vmem>>
    %dma_start3A_218 = arith.constant 2496 : i32
    %dma_start3A_219 = tpu.memref_slice %arg7[%dma_start3A_218] : memref<25600xi32, #tpu.memory_space<vmem>> -> memref<128xi32, #tpu.memory_space<vmem>>
    %dma_start3A_220 = arith.constant 0 : i32
    %dma_start3A_221 = arith.constant 0 : i32
    %dma_start3A_222 = tpu.memref_slice %arg4[%dma_start3A_220, %dma_start3A_221] : memref<102400x16xf32, #tpu.memory_space<hbm>> -> memref<102400x16xf32, #tpu.memory_space<hbm>>
    tpu.enqueue_indirect_dma source(%dma_start3A_222 : memref<102400x16xf32, #tpu.memory_space<hbm>>) target(%dma_start3A_217 : memref<128x16xf32, #tpu.memory_space<vmem>>) offsets(%dma_start3A_219 : memref<128xi32, #tpu.memory_space<vmem>>) semaphore(%arg12 : memref<!tpu.dma_semaphore, #tpu.memory_space<semaphore_mem>>)
    %dma_start3A_223 = arith.constant 1 : i32
    %dma_start3A_224 = arith.constant 1024 : i32
    %dma_start3A_225 = arith.constant 0 : i32
    %dma_start3A_226 = tpu.memref_slice %arg8[%dma_start3A_223, %dma_start3A_224, %dma_start3A_225] : memref<2x1600x16xf32, #tpu.memory_space<vmem>> -> memref<1x128x16xf32, #tpu.memory_space<vmem>>
    %dma_start3A_227 = tpu.memref_squeeze %dma_start3A_226 : memref<1x128x16xf32, #tpu.memory_space<vmem>> -> memref<128x16xf32, #tpu.memory_space<vmem>>
    %dma_start3A_228 = arith.constant 2624 : i32
    %dma_start3A_229 = tpu.memref_slice %arg7[%dma_start3A_228] : memref<25600xi32, #tpu.memory_space<vmem>> -> memref<128xi32, #tpu.memory_space<vmem>>
    %dma_start3A_230 = arith.constant 0 : i32
    %dma_start3A_231 = arith.constant 0 : i32
    %dma_start3A_232 = tpu.memref_slice %arg4[%dma_start3A_230, %dma_start3A_231] : memref<102400x16xf32, #tpu.memory_space<hbm>> -> memref<102400x16xf32, #tpu.memory_space<hbm>>
    tpu.enqueue_indirect_dma source(%dma_start3A_232 : memref<102400x16xf32, #tpu.memory_space<hbm>>) target(%dma_start3A_227 : memref<128x16xf32, #tpu.memory_space<vmem>>) offsets(%dma_start3A_229 : memref<128xi32, #tpu.memory_space<vmem>>) semaphore(%arg12 : memref<!tpu.dma_semaphore, #tpu.memory_space<semaphore_mem>>)
    %dma_start3A_233 = arith.constant 1 : i32
    %dma_start3A_234 = arith.constant 1152 : i32
    %dma_start3A_235 = arith.constant 0 : i32
    %dma_start3A_236 = tpu.memref_slice %arg8[%dma_start3A_233, %dma_start3A_234, %dma_start3A_235] : memref<2x1600x16xf32, #tpu.memory_space<vmem>> -> memref<1x128x16xf32, #tpu.memory_space<vmem>>
    %dma_start3A_237 = tpu.memref_squeeze %dma_start3A_236 : memref<1x128x16xf32, #tpu.memory_space<vmem>> -> memref<128x16xf32, #tpu.memory_space<vmem>>
    %dma_start3A_238 = arith.constant 2752 : i32
    %dma_start3A_239 = tpu.memref_slice %arg7[%dma_start3A_238] : memref<25600xi32, #tpu.memory_space<vmem>> -> memref<128xi32, #tpu.memory_space<vmem>>
    %dma_start3A_240 = arith.constant 0 : i32
    %dma_start3A_241 = arith.constant 0 : i32
    %dma_start3A_242 = tpu.memref_slice %arg4[%dma_start3A_240, %dma_start3A_241] : memref<102400x16xf32, #tpu.memory_space<hbm>> -> memref<102400x16xf32, #tpu.memory_space<hbm>>
    tpu.enqueue_indirect_dma source(%dma_start3A_242 : memref<102400x16xf32, #tpu.memory_space<hbm>>) target(%dma_start3A_237 : memref<128x16xf32, #tpu.memory_space<vmem>>) offsets(%dma_start3A_239 : memref<128xi32, #tpu.memory_space<vmem>>) semaphore(%arg12 : memref<!tpu.dma_semaphore, #tpu.memory_space<semaphore_mem>>)
    %dma_start3A_243 = arith.constant 1 : i32
    %dma_start3A_244 = arith.constant 1280 : i32
    %dma_start3A_245 = arith.constant 0 : i32
    %dma_start3A_246 = tpu.memref_slice %arg8[%dma_start3A_243, %dma_start3A_244, %dma_start3A_245] : memref<2x1600x16xf32, #tpu.memory_space<vmem>> -> memref<1x128x16xf32, #tpu.memory_space<vmem>>
    %dma_start3A_247 = tpu.memref_squeeze %dma_start3A_246 : memref<1x128x16xf32, #tpu.memory_space<vmem>> -> memref<128x16xf32, #tpu.memory_space<vmem>>
    %dma_start3A_248 = arith.constant 2880 : i32
    %dma_start3A_249 = tpu.memref_slice %arg7[%dma_start3A_248] : memref<25600xi32, #tpu.memory_space<vmem>> -> memref<128xi32, #tpu.memory_space<vmem>>
    %dma_start3A_250 = arith.constant 0 : i32
    %dma_start3A_251 = arith.constant 0 : i32
    %dma_start3A_252 = tpu.memref_slice %arg4[%dma_start3A_250, %dma_start3A_251] : memref<102400x16xf32, #tpu.memory_space<hbm>> -> memref<102400x16xf32, #tpu.memory_space<hbm>>
    tpu.enqueue_indirect_dma source(%dma_start3A_252 : memref<102400x16xf32, #tpu.memory_space<hbm>>) target(%dma_start3A_247 : memref<128x16xf32, #tpu.memory_space<vmem>>) offsets(%dma_start3A_249 : memref<128xi32, #tpu.memory_space<vmem>>) semaphore(%arg12 : memref<!tpu.dma_semaphore, #tpu.memory_space<semaphore_mem>>)
    %dma_start3A_253 = arith.constant 1 : i32
    %dma_start3A_254 = arith.constant 1408 : i32
    %dma_start3A_255 = arith.constant 0 : i32
    %dma_start3A_256 = tpu.memref_slice %arg8[%dma_start3A_253, %dma_start3A_254, %dma_start3A_255] : memref<2x1600x16xf32, #tpu.memory_space<vmem>> -> memref<1x128x16xf32, #tpu.memory_space<vmem>>
    %dma_start3A_257 = tpu.memref_squeeze %dma_start3A_256 : memref<1x128x16xf32, #tpu.memory_space<vmem>> -> memref<128x16xf32, #tpu.memory_space<vmem>>
    %dma_start3A_258 = arith.constant 3008 : i32
    %dma_start3A_259 = tpu.memref_slice %arg7[%dma_start3A_258] : memref<25600xi32, #tpu.memory_space<vmem>> -> memref<128xi32, #tpu.memory_space<vmem>>
    %dma_start3A_260 = arith.constant 0 : i32
    %dma_start3A_261 = arith.constant 0 : i32
    %dma_start3A_262 = tpu.memref_slice %arg4[%dma_start3A_260, %dma_start3A_261] : memref<102400x16xf32, #tpu.memory_space<hbm>> -> memref<102400x16xf32, #tpu.memory_space<hbm>>
    tpu.enqueue_indirect_dma source(%dma_start3A_262 : memref<102400x16xf32, #tpu.memory_space<hbm>>) target(%dma_start3A_257 : memref<128x16xf32, #tpu.memory_space<vmem>>) offsets(%dma_start3A_259 : memref<128xi32, #tpu.memory_space<vmem>>) semaphore(%arg12 : memref<!tpu.dma_semaphore, #tpu.memory_space<semaphore_mem>>)
    %dma_start3A_263 = arith.constant 1 : i32
    %dma_start3A_264 = arith.constant 1536 : i32
    %dma_start3A_265 = arith.constant 0 : i32
    %dma_start3A_266 = tpu.memref_slice %arg8[%dma_start3A_263, %dma_start3A_264, %dma_start3A_265] : memref<2x1600x16xf32, #tpu.memory_space<vmem>> -> memref<1x64x16xf32, #tpu.memory_space<vmem>>
    %dma_start3A_267 = tpu.memref_squeeze %dma_start3A_266 : memref<1x64x16xf32, #tpu.memory_space<vmem>> -> memref<64x16xf32, #tpu.memory_space<vmem>>
    %dma_start3A_268 = arith.constant 3136 : i32
    %dma_start3A_269 = tpu.memref_slice %arg7[%dma_start3A_268] : memref<25600xi32, #tpu.memory_space<vmem>> -> memref<64xi32, #tpu.memory_space<vmem>>
    %dma_start3A_270 = arith.constant 0 : i32
    %dma_start3A_271 = arith.constant 0 : i32
    %dma_start3A_272 = tpu.memref_slice %arg4[%dma_start3A_270, %dma_start3A_271] : memref<102400x16xf32, #tpu.memory_space<hbm>> -> memref<102400x16xf32, #tpu.memory_space<hbm>>
    tpu.enqueue_indirect_dma source(%dma_start3A_272 : memref<102400x16xf32, #tpu.memory_space<hbm>>) target(%dma_start3A_267 : memref<64x16xf32, #tpu.memory_space<vmem>>) offsets(%dma_start3A_269 : memref<64xi32, #tpu.memory_space<vmem>>) semaphore(%arg12 : memref<!tpu.dma_semaphore, #tpu.memory_space<semaphore_mem>>)
    %scan3A_273 = arith.constant 0 : i32
    %scan3A_274 = arith.constant 0 : i32
    %scan3A_275 = arith.constant 8 : i32
    %scan3A_276 = arith.addi %scan3A_274, %scan3A_275 : i32
    %scan3A_277 = arith.constant 1 : i32
    %scan3A_278 = scf.for %scan3A_280 = %scan3A_274 to %scan3A_276 step %scan3A_277 iter_args(%scan3A_281 = %scan3A_273) -> (i32)  : i32 {
      %add3A_282 = arith.constant 1 : i32
      %add3A_283 = arith.addi %scan3A_280, %add3A_282 : i32
      %lt3A = arith.constant 8 : i32
      %lt3A_284 = arith.cmpi slt, %add3A_283, %lt3A : i32
      %convert_element_type3A = arith.extui %lt3A_284 : i1 to i32
      %cond3A = arith.constant 0 : i32
      %cond3A_285 = arith.cmpi ne, %convert_element_type3A, %cond3A : i32
      scf.if %cond3A_285 {
        %add3A_449 = arith.constant 1 : i32
        %add3A_450 = arith.addi %scan3A_280, %add3A_449 : i32
        %scan3A_451 = arith.constant 0 : i32
        %scan3A_452 = arith.constant 0 : i32
        %scan3A_453 = arith.constant 200 : i32
        %scan3A_454 = arith.addi %scan3A_452, %scan3A_453 : i32
        %scan3A_455 = arith.constant 1 : i32
        %scan3A_456 = scf.for %scan3A_458 = %scan3A_452 to %scan3A_454 step %scan3A_455 iter_args(%scan3A_459 = %scan3A_451) -> (i32)  : i32 {
          %shift_right_arithmetic3A = arith.constant 3 : i32
          %shift_right_arithmetic3A_460 = arith.shrsi %scan3A_458, %shift_right_arithmetic3A : i32
          %and3A = arith.constant 7 : i32
          %and3A_461 = arith.andi %scan3A_458, %and3A : i32
          %mul3A_462 = arith.constant 16 : i32
          %mul3A_463 = arith.muli %mul3A_462, %add3A_450 : i32
          %get3A_464 = arith.index_cast %shift_right_arithmetic3A_460 : i32 to index
          %get3A_465 = arith.index_cast %and3A_461 : i32 to index
          %get3A_466 = arith.index_cast %mul3A_463 : i32 to index
          %get3A_467 = tpu.vector_load %arg6[%get3A_464, %get3A_465, %get3A_466] {strides = array<i32>} : memref<25x8x128xi32, #tpu.memory_space<vmem>>, vector<16xi32>,
          %shift_right_logical3A = arith.constant 9 : i32
          %shift_right_logical3A_468 = vector.broadcast %shift_right_logical3A : i32 to vector<16xi32>
          %shift_right_logical3A_469 = arith.shrui %get3A_467, %shift_right_logical3A_468 : vector<16xi32>
          %mul3A_470 = arith.constant 1311 : i32
          %mul3A_471 = vector.broadcast %mul3A_470 : i32 to vector<16xi32>
          %mul3A_472 = arith.muli %shift_right_logical3A_469, %mul3A_471 : vector<16xi32>
          %shift_right_logical3A_473 = arith.constant 15 : i32
          %shift_right_logical3A_474 = vector.broadcast %shift_right_logical3A_473 : i32 to vector<16xi32>
          %shift_right_logical3A_475 = arith.shrui %mul3A_472, %shift_right_logical3A_474 : vector<16xi32>
          %mul3A_476 = arith.constant 12800 : i32
          %mul3A_477 = vector.broadcast %mul3A_476 : i32 to vector<16xi32>
          %mul3A_478 = arith.muli %shift_right_logical3A_475, %mul3A_477 : vector<16xi32>
          %sub3A = arith.subi %get3A_467, %mul3A_478 : vector<16xi32>
          %shift_left3A = arith.constant 3 : i32
          %shift_left3A_479 = vector.broadcast %shift_left3A : i32 to vector<16xi32>
          %shift_left3A_480 = arith.shli %sub3A, %shift_left3A_479 : vector<16xi32>
          %or3A = arith.ori %shift_left3A_480, %shift_right_logical3A_475 : vector<16xi32>
          %mul3A_481 = arith.constant 16 : i32
          %mul3A_482 = arith.muli %mul3A_481, %add3A_450 : i32
          %mul3A_483 = arith.constant 200 : i32
          %mul3A_484 = arith.muli %mul3A_482, %mul3A_483 : i32
          %add3A_485 = arith.addi %scan3A_458, %mul3A_484 : i32
          %add3A_486 = vector.broadcast %add3A_485 : i32 to vector<16xi32>
          %add3A_487 = arith.addi %mul3A_6, %add3A_486 : vector<16xi32>
          tpu.vector_store_idx %arg7[%add3A_487], %or3A : memref<25600xi32, #tpu.memory_space<vmem>>[vector<16xi32>], vector<16xi32>,
          %scan3A_488 = arith.constant 0 : i32
          scf.yield %scan3A_488 : i32
        }
        %scan3A_457 = arith.constant 200 : i32
      } else {
      }
      %mul3A_286 = arith.constant 2 : i32
      %mul3A_287 = arith.muli %mul3A_286, %scan3A_280 : i32
      %add3A_288 = arith.constant 0 : i32
      %add3A_289 = arith.addi %mul3A_287, %add3A_288 : i32
      %dma_wait3A = arith.constant 0 : i32
      %dma_wait3A_290 = arith.constant 0 : i32
      %dma_wait3A_291 = arith.constant 0 : i32
      %dma_wait3A_292 = tpu.memref_slice %arg8[%dma_wait3A, %dma_wait3A_290, %dma_wait3A_291] : memref<2x1600x16xf32, #tpu.memory_space<vmem>> -> memref<1x1600x16xf32, #tpu.memory_space<vmem>>
      %dma_wait3A_293 = tpu.memref_squeeze %dma_wait3A_292 : memref<1x1600x16xf32, #tpu.memory_space<vmem>> -> memref<1600x16xf32, #tpu.memory_space<vmem>>
      %dma_wait3A_294 = arith.constant 0 : i32
      %dma_wait3A_295 = arith.constant 0 : i32
      %dma_wait3A_296 = tpu.memref_slice %arg4[%dma_wait3A_294, %dma_wait3A_295] : memref<102400x16xf32, #tpu.memory_space<hbm>> -> memref<1600x16xf32, #tpu.memory_space<hbm>>
      %dma_wait3A_297 = arith.constant 0 : i32
      %dma_wait3A_298 = arith.constant 0 : i32
      %dma_wait3A_299 = tpu.memref_slice %arg8[%dma_wait3A, %dma_wait3A_297, %dma_wait3A_298] : memref<2x1600x16xf32, #tpu.memory_space<vmem>> -> memref<1x1600x16xf32, #tpu.memory_space<vmem>>
      %dma_wait3A_300 = tpu.memref_squeeze %dma_wait3A_299 : memref<1x1600x16xf32, #tpu.memory_space<vmem>> -> memref<1600x16xf32, #tpu.memory_space<vmem>>
      %dma_wait3A_301 = arith.constant 0 : i32
      %dma_wait3A_302 = arith.constant 0 : i32
      %dma_wait3A_303 = tpu.memref_slice %arg4[%dma_wait3A_301, %dma_wait3A_302] : memref<102400x16xf32, #tpu.memory_space<hbm>> -> memref<1600x16xf32, #tpu.memory_space<hbm>>
      tpu.wait_dma2 semaphore(%arg11 : memref<!tpu.dma_semaphore, #tpu.memory_space<semaphore_mem>>) src(%dma_wait3A_303 : memref<1600x16xf32, #tpu.memory_space<hbm>>) dst(%dma_wait3A_300 : memref<1600x16xf32, #tpu.memory_space<vmem>>)
      %broadcast_in_dim3A = arith.constant 0.000000e+00 : f32
      %broadcast_in_dim3A_304 = vector.broadcast %broadcast_in_dim3A : f32 to vector<16xf32>
      %scan3A_305 = arith.constant 0 : i32
      %scan3A_306 = arith.constant 100 : i32
      %scan3A_307 = arith.addi %scan3A_305, %scan3A_306 : i32
      %scan3A_308 = arith.constant 1 : i32
      %scan3A_309:8 = scf.for %scan3A_449 = %scan3A_305 to %scan3A_307 step %scan3A_308 iter_args(%scan3A_450 = %broadcast_in_dim3A_304, %scan3A_451 = %broadcast_in_dim3A_304, %scan3A_452 = %broadcast_in_dim3A_304, %scan3A_453 = %broadcast_in_dim3A_304, %scan3A_454 = %broadcast_in_dim3A_304, %scan3A_455 = %broadcast_in_dim3A_304, %scan3A_456 = %broadcast_in_dim3A_304, %scan3A_457 = %broadcast_in_dim3A_304) -> (vector<16xf32>, vector<16xf32>, vector<16xf32>, vector<16xf32>, vector<16xf32>, vector<16xf32>, vector<16xf32>, vector<16xf32>)  : i32 {
        %mul3A_458 = arith.constant 2 : i32
        %mul3A_459 = arith.muli %mul3A_458, %scan3A_449 : i32
        %add3A_460 = arith.constant 0 : i32
        %add3A_461 = arith.addi %add3A_460, %mul3A_459 : i32
        %get3A_462 = arith.constant 0 : i32
        %get3A_463 = arith.index_cast %get3A_462 : i32 to index
        %get3A_464 = arith.index_cast %add3A_461 : i32 to index
        %get3A_465 = arith.constant 0 : index
        %get3A_466 = tpu.vector_load %arg8[%get3A_463, %get3A_464, %get3A_465] {strides = array<i32>} : memref<2x1600x16xf32, #tpu.memory_space<vmem>>, vector<16xf32>,
        %mul3A_467 = arith.constant 2 : i32
        %mul3A_468 = arith.muli %mul3A_467, %scan3A_449 : i32
        %add3A_469 = arith.constant 0 : i32
        %add3A_470 = arith.addi %add3A_469, %mul3A_468 : i32
        %add3A_471 = arith.constant 1 : i32
        %add3A_472 = arith.addi %add3A_470, %add3A_471 : i32
        %get3A_473 = arith.constant 0 : i32
        %get3A_474 = arith.index_cast %get3A_473 : i32 to index
        %get3A_475 = arith.index_cast %add3A_472 : i32 to index
        %get3A_476 = arith.constant 0 : index
        %get3A_477 = tpu.vector_load %arg8[%get3A_474, %get3A_475, %get3A_476] {strides = array<i32>} : memref<2x1600x16xf32, #tpu.memory_space<vmem>>, vector<16xf32>,
        %add3A_478 = arith.addf %get3A_466, %get3A_477 : vector<16xf32>
        %add3A_479 = arith.addf %scan3A_450, %add3A_478 : vector<16xf32>
        %mul3A_480 = arith.constant 2 : i32
        %mul3A_481 = arith.muli %mul3A_480, %scan3A_449 : i32
        %add3A_482 = arith.constant 200 : i32
        %add3A_483 = arith.addi %add3A_482, %mul3A_481 : i32
        %get3A_484 = arith.constant 0 : i32
        %get3A_485 = arith.index_cast %get3A_484 : i32 to index
        %get3A_486 = arith.index_cast %add3A_483 : i32 to index
        %get3A_487 = arith.constant 0 : index
        %get3A_488 = tpu.vector_load %arg8[%get3A_485, %get3A_486, %get3A_487] {strides = array<i32>} : memref<2x1600x16xf32, #tpu.memory_space<vmem>>, vector<16xf32>,
        %mul3A_489 = arith.constant 2 : i32
        %mul3A_490 = arith.muli %mul3A_489, %scan3A_449 : i32
        %add3A_491 = arith.constant 200 : i32
        %add3A_492 = arith.addi %add3A_491, %mul3A_490 : i32
        %add3A_493 = arith.constant 1 : i32
        %add3A_494 = arith.addi %add3A_492, %add3A_493 : i32
        %get3A_495 = arith.constant 0 : i32
        %get3A_496 = arith.index_cast %get3A_495 : i32 to index
        %get3A_497 = arith.index_cast %add3A_494 : i32 to index
        %get3A_498 = arith.constant 0 : index
        %get3A_499 = tpu.vector_load %arg8[%get3A_496, %get3A_497, %get3A_498] {strides = array<i32>} : memref<2x1600x16xf32, #tpu.memory_space<vmem>>, vector<16xf32>,
        %add3A_500 = arith.addf %get3A_488, %get3A_499 : vector<16xf32>
        %add3A_501 = arith.addf %scan3A_451, %add3A_500 : vector<16xf32>
        %mul3A_502 = arith.constant 2 : i32
        %mul3A_503 = arith.muli %mul3A_502, %scan3A_449 : i32
        %add3A_504 = arith.constant 400 : i32
        %add3A_505 = arith.addi %add3A_504, %mul3A_503 : i32
        %get3A_506 = arith.constant 0 : i32
        %get3A_507 = arith.index_cast %get3A_506 : i32 to index
        %get3A_508 = arith.index_cast %add3A_505 : i32 to index
        %get3A_509 = arith.constant 0 : index
        %get3A_510 = tpu.vector_load %arg8[%get3A_507, %get3A_508, %get3A_509] {strides = array<i32>} : memref<2x1600x16xf32, #tpu.memory_space<vmem>>, vector<16xf32>,
        %mul3A_511 = arith.constant 2 : i32
        %mul3A_512 = arith.muli %mul3A_511, %scan3A_449 : i32
        %add3A_513 = arith.constant 400 : i32
        %add3A_514 = arith.addi %add3A_513, %mul3A_512 : i32
        %add3A_515 = arith.constant 1 : i32
        %add3A_516 = arith.addi %add3A_514, %add3A_515 : i32
        %get3A_517 = arith.constant 0 : i32
        %get3A_518 = arith.index_cast %get3A_517 : i32 to index
        %get3A_519 = arith.index_cast %add3A_516 : i32 to index
        %get3A_520 = arith.constant 0 : index
        %get3A_521 = tpu.vector_load %arg8[%get3A_518, %get3A_519, %get3A_520] {strides = array<i32>} : memref<2x1600x16xf32, #tpu.memory_space<vmem>>, vector<16xf32>,
        %add3A_522 = arith.addf %get3A_510, %get3A_521 : vector<16xf32>
        %add3A_523 = arith.addf %scan3A_452, %add3A_522 : vector<16xf32>
        %mul3A_524 = arith.constant 2 : i32
        %mul3A_525 = arith.muli %mul3A_524, %scan3A_449 : i32
        %add3A_526 = arith.constant 600 : i32
        %add3A_527 = arith.addi %add3A_526, %mul3A_525 : i32
        %get3A_528 = arith.constant 0 : i32
        %get3A_529 = arith.index_cast %get3A_528 : i32 to index
        %get3A_530 = arith.index_cast %add3A_527 : i32 to index
        %get3A_531 = arith.constant 0 : index
        %get3A_532 = tpu.vector_load %arg8[%get3A_529, %get3A_530, %get3A_531] {strides = array<i32>} : memref<2x1600x16xf32, #tpu.memory_space<vmem>>, vector<16xf32>,
        %mul3A_533 = arith.constant 2 : i32
        %mul3A_534 = arith.muli %mul3A_533, %scan3A_449 : i32
        %add3A_535 = arith.constant 600 : i32
        %add3A_536 = arith.addi %add3A_535, %mul3A_534 : i32
        %add3A_537 = arith.constant 1 : i32
        %add3A_538 = arith.addi %add3A_536, %add3A_537 : i32
        %get3A_539 = arith.constant 0 : i32
        %get3A_540 = arith.index_cast %get3A_539 : i32 to index
        %get3A_541 = arith.index_cast %add3A_538 : i32 to index
        %get3A_542 = arith.constant 0 : index
        %get3A_543 = tpu.vector_load %arg8[%get3A_540, %get3A_541, %get3A_542] {strides = array<i32>} : memref<2x1600x16xf32, #tpu.memory_space<vmem>>, vector<16xf32>,
        %add3A_544 = arith.addf %get3A_532, %get3A_543 : vector<16xf32>
        %add3A_545 = arith.addf %scan3A_453, %add3A_544 : vector<16xf32>
        %mul3A_546 = arith.constant 2 : i32
        %mul3A_547 = arith.muli %mul3A_546, %scan3A_449 : i32
        %add3A_548 = arith.constant 800 : i32
        %add3A_549 = arith.addi %add3A_548, %mul3A_547 : i32
        %get3A_550 = arith.constant 0 : i32
        %get3A_551 = arith.index_cast %get3A_550 : i32 to index
        %get3A_552 = arith.index_cast %add3A_549 : i32 to index
        %get3A_553 = arith.constant 0 : index
        %get3A_554 = tpu.vector_load %arg8[%get3A_551, %get3A_552, %get3A_553] {strides = array<i32>} : memref<2x1600x16xf32, #tpu.memory_space<vmem>>, vector<16xf32>,
        %mul3A_555 = arith.constant 2 : i32
        %mul3A_556 = arith.muli %mul3A_555, %scan3A_449 : i32
        %add3A_557 = arith.constant 800 : i32
        %add3A_558 = arith.addi %add3A_557, %mul3A_556 : i32
        %add3A_559 = arith.constant 1 : i32
        %add3A_560 = arith.addi %add3A_558, %add3A_559 : i32
        %get3A_561 = arith.constant 0 : i32
        %get3A_562 = arith.index_cast %get3A_561 : i32 to index
        %get3A_563 = arith.index_cast %add3A_560 : i32 to index
        %get3A_564 = arith.constant 0 : index
        %get3A_565 = tpu.vector_load %arg8[%get3A_562, %get3A_563, %get3A_564] {strides = array<i32>} : memref<2x1600x16xf32, #tpu.memory_space<vmem>>, vector<16xf32>,
        %add3A_566 = arith.addf %get3A_554, %get3A_565 : vector<16xf32>
        %add3A_567 = arith.addf %scan3A_454, %add3A_566 : vector<16xf32>
        %mul3A_568 = arith.constant 2 : i32
        %mul3A_569 = arith.muli %mul3A_568, %scan3A_449 : i32
        %add3A_570 = arith.constant 1000 : i32
        %add3A_571 = arith.addi %add3A_570, %mul3A_569 : i32
        %get3A_572 = arith.constant 0 : i32
        %get3A_573 = arith.index_cast %get3A_572 : i32 to index
        %get3A_574 = arith.index_cast %add3A_571 : i32 to index
        %get3A_575 = arith.constant 0 : index
        %get3A_576 = tpu.vector_load %arg8[%get3A_573, %get3A_574, %get3A_575] {strides = array<i32>} : memref<2x1600x16xf32, #tpu.memory_space<vmem>>, vector<16xf32>,
        %mul3A_577 = arith.constant 2 : i32
        %mul3A_578 = arith.muli %mul3A_577, %scan3A_449 : i32
        %add3A_579 = arith.constant 1000 : i32
        %add3A_580 = arith.addi %add3A_579, %mul3A_578 : i32
        %add3A_581 = arith.constant 1 : i32
        %add3A_582 = arith.addi %add3A_580, %add3A_581 : i32
        %get3A_583 = arith.constant 0 : i32
        %get3A_584 = arith.index_cast %get3A_583 : i32 to index
        %get3A_585 = arith.index_cast %add3A_582 : i32 to index
        %get3A_586 = arith.constant 0 : index
        %get3A_587 = tpu.vector_load %arg8[%get3A_584, %get3A_585, %get3A_586] {strides = array<i32>} : memref<2x1600x16xf32, #tpu.memory_space<vmem>>, vector<16xf32>,
        %add3A_588 = arith.addf %get3A_576, %get3A_587 : vector<16xf32>
        %add3A_589 = arith.addf %scan3A_455, %add3A_588 : vector<16xf32>
        %mul3A_590 = arith.constant 2 : i32
        %mul3A_591 = arith.muli %mul3A_590, %scan3A_449 : i32
        %add3A_592 = arith.constant 1200 : i32
        %add3A_593 = arith.addi %add3A_592, %mul3A_591 : i32
        %get3A_594 = arith.constant 0 : i32
        %get3A_595 = arith.index_cast %get3A_594 : i32 to index
        %get3A_596 = arith.index_cast %add3A_593 : i32 to index
        %get3A_597 = arith.constant 0 : index
        %get3A_598 = tpu.vector_load %arg8[%get3A_595, %get3A_596, %get3A_597] {strides = array<i32>} : memref<2x1600x16xf32, #tpu.memory_space<vmem>>, vector<16xf32>,
        %mul3A_599 = arith.constant 2 : i32
        %mul3A_600 = arith.muli %mul3A_599, %scan3A_449 : i32
        %add3A_601 = arith.constant 1200 : i32
        %add3A_602 = arith.addi %add3A_601, %mul3A_600 : i32
        %add3A_603 = arith.constant 1 : i32
        %add3A_604 = arith.addi %add3A_602, %add3A_603 : i32
        %get3A_605 = arith.constant 0 : i32
        %get3A_606 = arith.index_cast %get3A_605 : i32 to index
        %get3A_607 = arith.index_cast %add3A_604 : i32 to index
        %get3A_608 = arith.constant 0 : index
        %get3A_609 = tpu.vector_load %arg8[%get3A_606, %get3A_607, %get3A_608] {strides = array<i32>} : memref<2x1600x16xf32, #tpu.memory_space<vmem>>, vector<16xf32>,
        %add3A_610 = arith.addf %get3A_598, %get3A_609 : vector<16xf32>
        %add3A_611 = arith.addf %scan3A_456, %add3A_610 : vector<16xf32>
        %mul3A_612 = arith.constant 2 : i32
        %mul3A_613 = arith.muli %mul3A_612, %scan3A_449 : i32
        %add3A_614 = arith.constant 1400 : i32
        %add3A_615 = arith.addi %add3A_614, %mul3A_613 : i32
        %get3A_616 = arith.constant 0 : i32
        %get3A_617 = arith.index_cast %get3A_616 : i32 to index
        %get3A_618 = arith.index_cast %add3A_615 : i32 to index
        %get3A_619 = arith.constant 0 : index
        %get3A_620 = tpu.vector_load %arg8[%get3A_617, %get3A_618, %get3A_619] {strides = array<i32>} : memref<2x1600x16xf32, #tpu.memory_space<vmem>>, vector<16xf32>,
        %mul3A_621 = arith.constant 2 : i32
        %mul3A_622 = arith.muli %mul3A_621, %scan3A_449 : i32
        %add3A_623 = arith.constant 1400 : i32
        %add3A_624 = arith.addi %add3A_623, %mul3A_622 : i32
        %add3A_625 = arith.constant 1 : i32
        %add3A_626 = arith.addi %add3A_624, %add3A_625 : i32
        %get3A_627 = arith.constant 0 : i32
        %get3A_628 = arith.index_cast %get3A_627 : i32 to index
        %get3A_629 = arith.index_cast %add3A_626 : i32 to index
        %get3A_630 = arith.constant 0 : index
        %get3A_631 = tpu.vector_load %arg8[%get3A_628, %get3A_629, %get3A_630] {strides = array<i32>} : memref<2x1600x16xf32, #tpu.memory_space<vmem>>, vector<16xf32>,
        %add3A_632 = arith.addf %get3A_620, %get3A_631 : vector<16xf32>
        %add3A_633 = arith.addf %scan3A_457, %add3A_632 : vector<16xf32>
        scf.yield %add3A_479, %add3A_501, %add3A_523, %add3A_545, %add3A_567, %add3A_589, %add3A_611, %add3A_633 : vector<16xf32>, vector<16xf32>, vector<16xf32>, vector<16xf32>, vector<16xf32>, vector<16xf32>, vector<16xf32>, vector<16xf32>
      }
      %scan3A_310 = arith.constant 100 : i32
      %mul3A_311 = arith.constant 8 : i32
      %mul3A_312 = arith.muli %add3A_289, %mul3A_311 : i32
      %add3A_313 = arith.constant 0 : i32
      %add3A_314 = arith.addi %mul3A_312, %add3A_313 : i32
      %broadcast_in_dim3A_315 = vector.broadcast %add3A_314 : i32 to vector<16xi32>
      %add3A_316 = arith.addf %scan3A_309#0, %get3A_3 : vector<16xf32>
      tpu.vector_store_idx %arg9[%iota3A_7, %broadcast_in_dim3A_315], %add3A_316 : memref<16x128xf32, #tpu.memory_space<vmem>>[vector<16xi32>, vector<16xi32>], vector<16xf32>,
      %mul3A_317 = arith.constant 8 : i32
      %mul3A_318 = arith.muli %add3A_289, %mul3A_317 : i32
      %add3A_319 = arith.constant 1 : i32
      %add3A_320 = arith.addi %mul3A_318, %add3A_319 : i32
      %broadcast_in_dim3A_321 = vector.broadcast %add3A_320 : i32 to vector<16xi32>
      %add3A_322 = arith.addf %scan3A_309#1, %get3A_3 : vector<16xf32>
      tpu.vector_store_idx %arg9[%iota3A_7, %broadcast_in_dim3A_321], %add3A_322 : memref<16x128xf32, #tpu.memory_space<vmem>>[vector<16xi32>, vector<16xi32>], vector<16xf32>,
      %mul3A_323 = arith.constant 8 : i32
      %mul3A_324 = arith.muli %add3A_289, %mul3A_323 : i32
      %add3A_325 = arith.constant 2 : i32
      %add3A_326 = arith.addi %mul3A_324, %add3A_325 : i32
      %broadcast_in_dim3A_327 = vector.broadcast %add3A_326 : i32 to vector<16xi32>
      %add3A_328 = arith.addf %scan3A_309#2, %get3A_3 : vector<16xf32>
      tpu.vector_store_idx %arg9[%iota3A_7, %broadcast_in_dim3A_327], %add3A_328 : memref<16x128xf32, #tpu.memory_space<vmem>>[vector<16xi32>, vector<16xi32>], vector<16xf32>,
      %mul3A_329 = arith.constant 8 : i32
      %mul3A_330 = arith.muli %add3A_289, %mul3A_329 : i32
      %add3A_331 = arith.constant 3 : i32
      %add3A_332 = arith.addi %mul3A_330, %add3A_331 : i32
      %broadcast_in_dim3A_333 = vector.broadcast %add3A_332 : i32 to vector<16xi32>
      %add3A_334 = arith.addf %scan3A_309#3, %get3A_3 : vector<16xf32>
      tpu.vector_store_idx %arg9[%iota3A_7, %broadcast_in_dim3A_333], %add3A_334 : memref<16x128xf32, #tpu.memory_space<vmem>>[vector<16xi32>, vector<16xi32>], vector<16xf32>,
      %mul3A_335 = arith.constant 8 : i32
      %mul3A_336 = arith.muli %add3A_289, %mul3A_335 : i32
      %add3A_337 = arith.constant 4 : i32
      %add3A_338 = arith.addi %mul3A_336, %add3A_337 : i32
      %broadcast_in_dim3A_339 = vector.broadcast %add3A_338 : i32 to vector<16xi32>
      %add3A_340 = arith.addf %scan3A_309#4, %get3A_3 : vector<16xf32>
      tpu.vector_store_idx %arg9[%iota3A_7, %broadcast_in_dim3A_339], %add3A_340 : memref<16x128xf32, #tpu.memory_space<vmem>>[vector<16xi32>, vector<16xi32>], vector<16xf32>,
      %mul3A_341 = arith.constant 8 : i32
      %mul3A_342 = arith.muli %add3A_289, %mul3A_341 : i32
      %add3A_343 = arith.constant 5 : i32
      %add3A_344 = arith.addi %mul3A_342, %add3A_343 : i32
      %broadcast_in_dim3A_345 = vector.broadcast %add3A_344 : i32 to vector<16xi32>
      %add3A_346 = arith.addf %scan3A_309#5, %get3A_3 : vector<16xf32>
      tpu.vector_store_idx %arg9[%iota3A_7, %broadcast_in_dim3A_345], %add3A_346 : memref<16x128xf32, #tpu.memory_space<vmem>>[vector<16xi32>, vector<16xi32>], vector<16xf32>,
      %mul3A_347 = arith.constant 8 : i32
      %mul3A_348 = arith.muli %add3A_289, %mul3A_347 : i32
      %add3A_349 = arith.constant 6 : i32
      %add3A_350 = arith.addi %mul3A_348, %add3A_349 : i32
      %broadcast_in_dim3A_351 = vector.broadcast %add3A_350 : i32 to vector<16xi32>
      %add3A_352 = arith.addf %scan3A_309#6, %get3A_3 : vector<16xf32>
      tpu.vector_store_idx %arg9[%iota3A_7, %broadcast_in_dim3A_351], %add3A_352 : memref<16x128xf32, #tpu.memory_space<vmem>>[vector<16xi32>, vector<16xi32>], vector<16xf32>,
      %mul3A_353 = arith.constant 8 : i32
      %mul3A_354 = arith.muli %add3A_289, %mul3A_353 : i32
      %add3A_355 = arith.constant 7 : i32
      %add3A_356 = arith.addi %mul3A_354, %add3A_355 : i32
      %broadcast_in_dim3A_357 = vector.broadcast %add3A_356 : i32 to vector<16xi32>
      %add3A_358 = arith.addf %scan3A_309#7, %get3A_3 : vector<16xf32>
      tpu.vector_store_idx %arg9[%iota3A_7, %broadcast_in_dim3A_357], %add3A_358 : memref<16x128xf32, #tpu.memory_space<vmem>>[vector<16xi32>, vector<16xi32>], vector<16xf32>,
      %add3A_359 = arith.constant 2 : i32
      %add3A_360 = arith.addi %add3A_289, %add3A_359 : i32
      %lt3A_361 = arith.constant 16 : i32
      %lt3A_362 = arith.cmpi slt, %add3A_360, %lt3A_361 : i32
      %convert_element_type3A_363 = arith.extui %lt3A_362 : i1 to i32
      %cond3A_364 = arith.constant 0 : i32
      %cond3A_365 = arith.cmpi ne, %convert_element_type3A_363, %cond3A_364 : i32
      scf.if %cond3A_365 {
        %add3A_449 = arith.constant 2 : i32
        %add3A_450 = arith.addi %add3A_289, %add3A_449 : i32
        %mul3A_451 = arith.constant 1600 : i32
        %mul3A_452 = arith.muli %add3A_450, %mul3A_451 : i32
        %add3A_453 = arith.constant 0 : i32
        %add3A_454 = arith.addi %mul3A_452, %add3A_453 : i32
        %dma_start3A_455 = arith.constant 0 : i32
        %dma_start3A_456 = arith.constant 0 : i32
        %dma_start3A_457 = arith.constant 0 : i32
        %dma_start3A_458 = tpu.memref_slice %arg8[%dma_start3A_455, %dma_start3A_456, %dma_start3A_457] : memref<2x1600x16xf32, #tpu.memory_space<vmem>> -> memref<1x128x16xf32, #tpu.memory_space<vmem>>
        %dma_start3A_459 = tpu.memref_squeeze %dma_start3A_458 : memref<1x128x16xf32, #tpu.memory_space<vmem>> -> memref<128x16xf32, #tpu.memory_space<vmem>>
        %dma_start3A_460 = tpu.memref_slice %arg7[%add3A_454] : memref<25600xi32, #tpu.memory_space<vmem>> -> memref<128xi32, #tpu.memory_space<vmem>>
        %dma_start3A_461 = arith.constant 0 : i32
        %dma_start3A_462 = arith.constant 0 : i32
        %dma_start3A_463 = tpu.memref_slice %arg4[%dma_start3A_461, %dma_start3A_462] : memref<102400x16xf32, #tpu.memory_space<hbm>> -> memref<102400x16xf32, #tpu.memory_space<hbm>>
        tpu.enqueue_indirect_dma source(%dma_start3A_463 : memref<102400x16xf32, #tpu.memory_space<hbm>>) target(%dma_start3A_459 : memref<128x16xf32, #tpu.memory_space<vmem>>) offsets(%dma_start3A_460 : memref<128xi32, #tpu.memory_space<vmem>>) semaphore(%arg11 : memref<!tpu.dma_semaphore, #tpu.memory_space<semaphore_mem>>)
        %add3A_464 = arith.constant 128 : i32
        %add3A_465 = arith.addi %mul3A_452, %add3A_464 : i32
        %dma_start3A_466 = arith.constant 0 : i32
        %dma_start3A_467 = arith.constant 128 : i32
        %dma_start3A_468 = arith.constant 0 : i32
        %dma_start3A_469 = tpu.memref_slice %arg8[%dma_start3A_466, %dma_start3A_467, %dma_start3A_468] : memref<2x1600x16xf32, #tpu.memory_space<vmem>> -> memref<1x128x16xf32, #tpu.memory_space<vmem>>
        %dma_start3A_470 = tpu.memref_squeeze %dma_start3A_469 : memref<1x128x16xf32, #tpu.memory_space<vmem>> -> memref<128x16xf32, #tpu.memory_space<vmem>>
        %dma_start3A_471 = tpu.memref_slice %arg7[%add3A_465] : memref<25600xi32, #tpu.memory_space<vmem>> -> memref<128xi32, #tpu.memory_space<vmem>>
        %dma_start3A_472 = arith.constant 0 : i32
        %dma_start3A_473 = arith.constant 0 : i32
        %dma_start3A_474 = tpu.memref_slice %arg4[%dma_start3A_472, %dma_start3A_473] : memref<102400x16xf32, #tpu.memory_space<hbm>> -> memref<102400x16xf32, #tpu.memory_space<hbm>>
        tpu.enqueue_indirect_dma source(%dma_start3A_474 : memref<102400x16xf32, #tpu.memory_space<hbm>>) target(%dma_start3A_470 : memref<128x16xf32, #tpu.memory_space<vmem>>) offsets(%dma_start3A_471 : memref<128xi32, #tpu.memory_space<vmem>>) semaphore(%arg11 : memref<!tpu.dma_semaphore, #tpu.memory_space<semaphore_mem>>)
        %add3A_475 = arith.constant 256 : i32
        %add3A_476 = arith.addi %mul3A_452, %add3A_475 : i32
        %dma_start3A_477 = arith.constant 0 : i32
        %dma_start3A_478 = arith.constant 256 : i32
        %dma_start3A_479 = arith.constant 0 : i32
        %dma_start3A_480 = tpu.memref_slice %arg8[%dma_start3A_477, %dma_start3A_478, %dma_start3A_479] : memref<2x1600x16xf32, #tpu.memory_space<vmem>> -> memref<1x128x16xf32, #tpu.memory_space<vmem>>
        %dma_start3A_481 = tpu.memref_squeeze %dma_start3A_480 : memref<1x128x16xf32, #tpu.memory_space<vmem>> -> memref<128x16xf32, #tpu.memory_space<vmem>>
        %dma_start3A_482 = tpu.memref_slice %arg7[%add3A_476] : memref<25600xi32, #tpu.memory_space<vmem>> -> memref<128xi32, #tpu.memory_space<vmem>>
        %dma_start3A_483 = arith.constant 0 : i32
        %dma_start3A_484 = arith.constant 0 : i32
        %dma_start3A_485 = tpu.memref_slice %arg4[%dma_start3A_483, %dma_start3A_484] : memref<102400x16xf32, #tpu.memory_space<hbm>> -> memref<102400x16xf32, #tpu.memory_space<hbm>>
        tpu.enqueue_indirect_dma source(%dma_start3A_485 : memref<102400x16xf32, #tpu.memory_space<hbm>>) target(%dma_start3A_481 : memref<128x16xf32, #tpu.memory_space<vmem>>) offsets(%dma_start3A_482 : memref<128xi32, #tpu.memory_space<vmem>>) semaphore(%arg11 : memref<!tpu.dma_semaphore, #tpu.memory_space<semaphore_mem>>)
        %add3A_486 = arith.constant 384 : i32
        %add3A_487 = arith.addi %mul3A_452, %add3A_486 : i32
        %dma_start3A_488 = arith.constant 0 : i32
        %dma_start3A_489 = arith.constant 384 : i32
        %dma_start3A_490 = arith.constant 0 : i32
        %dma_start3A_491 = tpu.memref_slice %arg8[%dma_start3A_488, %dma_start3A_489, %dma_start3A_490] : memref<2x1600x16xf32, #tpu.memory_space<vmem>> -> memref<1x128x16xf32, #tpu.memory_space<vmem>>
        %dma_start3A_492 = tpu.memref_squeeze %dma_start3A_491 : memref<1x128x16xf32, #tpu.memory_space<vmem>> -> memref<128x16xf32, #tpu.memory_space<vmem>>
        %dma_start3A_493 = tpu.memref_slice %arg7[%add3A_487] : memref<25600xi32, #tpu.memory_space<vmem>> -> memref<128xi32, #tpu.memory_space<vmem>>
        %dma_start3A_494 = arith.constant 0 : i32
        %dma_start3A_495 = arith.constant 0 : i32
        %dma_start3A_496 = tpu.memref_slice %arg4[%dma_start3A_494, %dma_start3A_495] : memref<102400x16xf32, #tpu.memory_space<hbm>> -> memref<102400x16xf32, #tpu.memory_space<hbm>>
        tpu.enqueue_indirect_dma source(%dma_start3A_496 : memref<102400x16xf32, #tpu.memory_space<hbm>>) target(%dma_start3A_492 : memref<128x16xf32, #tpu.memory_space<vmem>>) offsets(%dma_start3A_493 : memref<128xi32, #tpu.memory_space<vmem>>) semaphore(%arg11 : memref<!tpu.dma_semaphore, #tpu.memory_space<semaphore_mem>>)
        %add3A_497 = arith.constant 512 : i32
        %add3A_498 = arith.addi %mul3A_452, %add3A_497 : i32
        %dma_start3A_499 = arith.constant 0 : i32
        %dma_start3A_500 = arith.constant 512 : i32
        %dma_start3A_501 = arith.constant 0 : i32
        %dma_start3A_502 = tpu.memref_slice %arg8[%dma_start3A_499, %dma_start3A_500, %dma_start3A_501] : memref<2x1600x16xf32, #tpu.memory_space<vmem>> -> memref<1x128x16xf32, #tpu.memory_space<vmem>>
        %dma_start3A_503 = tpu.memref_squeeze %dma_start3A_502 : memref<1x128x16xf32, #tpu.memory_space<vmem>> -> memref<128x16xf32, #tpu.memory_space<vmem>>
        %dma_start3A_504 = tpu.memref_slice %arg7[%add3A_498] : memref<25600xi32, #tpu.memory_space<vmem>> -> memref<128xi32, #tpu.memory_space<vmem>>
        %dma_start3A_505 = arith.constant 0 : i32
        %dma_start3A_506 = arith.constant 0 : i32
        %dma_start3A_507 = tpu.memref_slice %arg4[%dma_start3A_505, %dma_start3A_506] : memref<102400x16xf32, #tpu.memory_space<hbm>> -> memref<102400x16xf32, #tpu.memory_space<hbm>>
        tpu.enqueue_indirect_dma source(%dma_start3A_507 : memref<102400x16xf32, #tpu.memory_space<hbm>>) target(%dma_start3A_503 : memref<128x16xf32, #tpu.memory_space<vmem>>) offsets(%dma_start3A_504 : memref<128xi32, #tpu.memory_space<vmem>>) semaphore(%arg11 : memref<!tpu.dma_semaphore, #tpu.memory_space<semaphore_mem>>)
        %add3A_508 = arith.constant 640 : i32
        %add3A_509 = arith.addi %mul3A_452, %add3A_508 : i32
        %dma_start3A_510 = arith.constant 0 : i32
        %dma_start3A_511 = arith.constant 640 : i32
        %dma_start3A_512 = arith.constant 0 : i32
        %dma_start3A_513 = tpu.memref_slice %arg8[%dma_start3A_510, %dma_start3A_511, %dma_start3A_512] : memref<2x1600x16xf32, #tpu.memory_space<vmem>> -> memref<1x128x16xf32, #tpu.memory_space<vmem>>
        %dma_start3A_514 = tpu.memref_squeeze %dma_start3A_513 : memref<1x128x16xf32, #tpu.memory_space<vmem>> -> memref<128x16xf32, #tpu.memory_space<vmem>>
        %dma_start3A_515 = tpu.memref_slice %arg7[%add3A_509] : memref<25600xi32, #tpu.memory_space<vmem>> -> memref<128xi32, #tpu.memory_space<vmem>>
        %dma_start3A_516 = arith.constant 0 : i32
        %dma_start3A_517 = arith.constant 0 : i32
        %dma_start3A_518 = tpu.memref_slice %arg4[%dma_start3A_516, %dma_start3A_517] : memref<102400x16xf32, #tpu.memory_space<hbm>> -> memref<102400x16xf32, #tpu.memory_space<hbm>>
        tpu.enqueue_indirect_dma source(%dma_start3A_518 : memref<102400x16xf32, #tpu.memory_space<hbm>>) target(%dma_start3A_514 : memref<128x16xf32, #tpu.memory_space<vmem>>) offsets(%dma_start3A_515 : memref<128xi32, #tpu.memory_space<vmem>>) semaphore(%arg11 : memref<!tpu.dma_semaphore, #tpu.memory_space<semaphore_mem>>)
        %add3A_519 = arith.constant 768 : i32
        %add3A_520 = arith.addi %mul3A_452, %add3A_519 : i32
        %dma_start3A_521 = arith.constant 0 : i32
        %dma_start3A_522 = arith.constant 768 : i32
        %dma_start3A_523 = arith.constant 0 : i32
        %dma_start3A_524 = tpu.memref_slice %arg8[%dma_start3A_521, %dma_start3A_522, %dma_start3A_523] : memref<2x1600x16xf32, #tpu.memory_space<vmem>> -> memref<1x128x16xf32, #tpu.memory_space<vmem>>
        %dma_start3A_525 = tpu.memref_squeeze %dma_start3A_524 : memref<1x128x16xf32, #tpu.memory_space<vmem>> -> memref<128x16xf32, #tpu.memory_space<vmem>>
        %dma_start3A_526 = tpu.memref_slice %arg7[%add3A_520] : memref<25600xi32, #tpu.memory_space<vmem>> -> memref<128xi32, #tpu.memory_space<vmem>>
        %dma_start3A_527 = arith.constant 0 : i32
        %dma_start3A_528 = arith.constant 0 : i32
        %dma_start3A_529 = tpu.memref_slice %arg4[%dma_start3A_527, %dma_start3A_528] : memref<102400x16xf32, #tpu.memory_space<hbm>> -> memref<102400x16xf32, #tpu.memory_space<hbm>>
        tpu.enqueue_indirect_dma source(%dma_start3A_529 : memref<102400x16xf32, #tpu.memory_space<hbm>>) target(%dma_start3A_525 : memref<128x16xf32, #tpu.memory_space<vmem>>) offsets(%dma_start3A_526 : memref<128xi32, #tpu.memory_space<vmem>>) semaphore(%arg11 : memref<!tpu.dma_semaphore, #tpu.memory_space<semaphore_mem>>)
        %add3A_530 = arith.constant 896 : i32
        %add3A_531 = arith.addi %mul3A_452, %add3A_530 : i32
        %dma_start3A_532 = arith.constant 0 : i32
        %dma_start3A_533 = arith.constant 896 : i32
        %dma_start3A_534 = arith.constant 0 : i32
        %dma_start3A_535 = tpu.memref_slice %arg8[%dma_start3A_532, %dma_start3A_533, %dma_start3A_534] : memref<2x1600x16xf32, #tpu.memory_space<vmem>> -> memref<1x128x16xf32, #tpu.memory_space<vmem>>
        %dma_start3A_536 = tpu.memref_squeeze %dma_start3A_535 : memref<1x128x16xf32, #tpu.memory_space<vmem>> -> memref<128x16xf32, #tpu.memory_space<vmem>>
        %dma_start3A_537 = tpu.memref_slice %arg7[%add3A_531] : memref<25600xi32, #tpu.memory_space<vmem>> -> memref<128xi32, #tpu.memory_space<vmem>>
        %dma_start3A_538 = arith.constant 0 : i32
        %dma_start3A_539 = arith.constant 0 : i32
        %dma_start3A_540 = tpu.memref_slice %arg4[%dma_start3A_538, %dma_start3A_539] : memref<102400x16xf32, #tpu.memory_space<hbm>> -> memref<102400x16xf32, #tpu.memory_space<hbm>>
        tpu.enqueue_indirect_dma source(%dma_start3A_540 : memref<102400x16xf32, #tpu.memory_space<hbm>>) target(%dma_start3A_536 : memref<128x16xf32, #tpu.memory_space<vmem>>) offsets(%dma_start3A_537 : memref<128xi32, #tpu.memory_space<vmem>>) semaphore(%arg11 : memref<!tpu.dma_semaphore, #tpu.memory_space<semaphore_mem>>)
        %add3A_541 = arith.constant 1024 : i32
        %add3A_542 = arith.addi %mul3A_452, %add3A_541 : i32
        %dma_start3A_543 = arith.constant 0 : i32
        %dma_start3A_544 = arith.constant 1024 : i32
        %dma_start3A_545 = arith.constant 0 : i32
        %dma_start3A_546 = tpu.memref_slice %arg8[%dma_start3A_543, %dma_start3A_544, %dma_start3A_545] : memref<2x1600x16xf32, #tpu.memory_space<vmem>> -> memref<1x128x16xf32, #tpu.memory_space<vmem>>
        %dma_start3A_547 = tpu.memref_squeeze %dma_start3A_546 : memref<1x128x16xf32, #tpu.memory_space<vmem>> -> memref<128x16xf32, #tpu.memory_space<vmem>>
        %dma_start3A_548 = tpu.memref_slice %arg7[%add3A_542] : memref<25600xi32, #tpu.memory_space<vmem>> -> memref<128xi32, #tpu.memory_space<vmem>>
        %dma_start3A_549 = arith.constant 0 : i32
        %dma_start3A_550 = arith.constant 0 : i32
        %dma_start3A_551 = tpu.memref_slice %arg4[%dma_start3A_549, %dma_start3A_550] : memref<102400x16xf32, #tpu.memory_space<hbm>> -> memref<102400x16xf32, #tpu.memory_space<hbm>>
        tpu.enqueue_indirect_dma source(%dma_start3A_551 : memref<102400x16xf32, #tpu.memory_space<hbm>>) target(%dma_start3A_547 : memref<128x16xf32, #tpu.memory_space<vmem>>) offsets(%dma_start3A_548 : memref<128xi32, #tpu.memory_space<vmem>>) semaphore(%arg11 : memref<!tpu.dma_semaphore, #tpu.memory_space<semaphore_mem>>)
        %add3A_552 = arith.constant 1152 : i32
        %add3A_553 = arith.addi %mul3A_452, %add3A_552 : i32
        %dma_start3A_554 = arith.constant 0 : i32
        %dma_start3A_555 = arith.constant 1152 : i32
        %dma_start3A_556 = arith.constant 0 : i32
        %dma_start3A_557 = tpu.memref_slice %arg8[%dma_start3A_554, %dma_start3A_555, %dma_start3A_556] : memref<2x1600x16xf32, #tpu.memory_space<vmem>> -> memref<1x128x16xf32, #tpu.memory_space<vmem>>
        %dma_start3A_558 = tpu.memref_squeeze %dma_start3A_557 : memref<1x128x16xf32, #tpu.memory_space<vmem>> -> memref<128x16xf32, #tpu.memory_space<vmem>>
        %dma_start3A_559 = tpu.memref_slice %arg7[%add3A_553] : memref<25600xi32, #tpu.memory_space<vmem>> -> memref<128xi32, #tpu.memory_space<vmem>>
        %dma_start3A_560 = arith.constant 0 : i32
        %dma_start3A_561 = arith.constant 0 : i32
        %dma_start3A_562 = tpu.memref_slice %arg4[%dma_start3A_560, %dma_start3A_561] : memref<102400x16xf32, #tpu.memory_space<hbm>> -> memref<102400x16xf32, #tpu.memory_space<hbm>>
        tpu.enqueue_indirect_dma source(%dma_start3A_562 : memref<102400x16xf32, #tpu.memory_space<hbm>>) target(%dma_start3A_558 : memref<128x16xf32, #tpu.memory_space<vmem>>) offsets(%dma_start3A_559 : memref<128xi32, #tpu.memory_space<vmem>>) semaphore(%arg11 : memref<!tpu.dma_semaphore, #tpu.memory_space<semaphore_mem>>)
        %add3A_563 = arith.constant 1280 : i32
        %add3A_564 = arith.addi %mul3A_452, %add3A_563 : i32
        %dma_start3A_565 = arith.constant 0 : i32
        %dma_start3A_566 = arith.constant 1280 : i32
        %dma_start3A_567 = arith.constant 0 : i32
        %dma_start3A_568 = tpu.memref_slice %arg8[%dma_start3A_565, %dma_start3A_566, %dma_start3A_567] : memref<2x1600x16xf32, #tpu.memory_space<vmem>> -> memref<1x128x16xf32, #tpu.memory_space<vmem>>
        %dma_start3A_569 = tpu.memref_squeeze %dma_start3A_568 : memref<1x128x16xf32, #tpu.memory_space<vmem>> -> memref<128x16xf32, #tpu.memory_space<vmem>>
        %dma_start3A_570 = tpu.memref_slice %arg7[%add3A_564] : memref<25600xi32, #tpu.memory_space<vmem>> -> memref<128xi32, #tpu.memory_space<vmem>>
        %dma_start3A_571 = arith.constant 0 : i32
        %dma_start3A_572 = arith.constant 0 : i32
        %dma_start3A_573 = tpu.memref_slice %arg4[%dma_start3A_571, %dma_start3A_572] : memref<102400x16xf32, #tpu.memory_space<hbm>> -> memref<102400x16xf32, #tpu.memory_space<hbm>>
        tpu.enqueue_indirect_dma source(%dma_start3A_573 : memref<102400x16xf32, #tpu.memory_space<hbm>>) target(%dma_start3A_569 : memref<128x16xf32, #tpu.memory_space<vmem>>) offsets(%dma_start3A_570 : memref<128xi32, #tpu.memory_space<vmem>>) semaphore(%arg11 : memref<!tpu.dma_semaphore, #tpu.memory_space<semaphore_mem>>)
        %add3A_574 = arith.constant 1408 : i32
        %add3A_575 = arith.addi %mul3A_452, %add3A_574 : i32
        %dma_start3A_576 = arith.constant 0 : i32
        %dma_start3A_577 = arith.constant 1408 : i32
        %dma_start3A_578 = arith.constant 0 : i32
        %dma_start3A_579 = tpu.memref_slice %arg8[%dma_start3A_576, %dma_start3A_577, %dma_start3A_578] : memref<2x1600x16xf32, #tpu.memory_space<vmem>> -> memref<1x128x16xf32, #tpu.memory_space<vmem>>
        %dma_start3A_580 = tpu.memref_squeeze %dma_start3A_579 : memref<1x128x16xf32, #tpu.memory_space<vmem>> -> memref<128x16xf32, #tpu.memory_space<vmem>>
        %dma_start3A_581 = tpu.memref_slice %arg7[%add3A_575] : memref<25600xi32, #tpu.memory_space<vmem>> -> memref<128xi32, #tpu.memory_space<vmem>>
        %dma_start3A_582 = arith.constant 0 : i32
        %dma_start3A_583 = arith.constant 0 : i32
        %dma_start3A_584 = tpu.memref_slice %arg4[%dma_start3A_582, %dma_start3A_583] : memref<102400x16xf32, #tpu.memory_space<hbm>> -> memref<102400x16xf32, #tpu.memory_space<hbm>>
        tpu.enqueue_indirect_dma source(%dma_start3A_584 : memref<102400x16xf32, #tpu.memory_space<hbm>>) target(%dma_start3A_580 : memref<128x16xf32, #tpu.memory_space<vmem>>) offsets(%dma_start3A_581 : memref<128xi32, #tpu.memory_space<vmem>>) semaphore(%arg11 : memref<!tpu.dma_semaphore, #tpu.memory_space<semaphore_mem>>)
        %add3A_585 = arith.constant 1536 : i32
        %add3A_586 = arith.addi %mul3A_452, %add3A_585 : i32
        %dma_start3A_587 = arith.constant 0 : i32
        %dma_start3A_588 = arith.constant 1536 : i32
        %dma_start3A_589 = arith.constant 0 : i32
        %dma_start3A_590 = tpu.memref_slice %arg8[%dma_start3A_587, %dma_start3A_588, %dma_start3A_589] : memref<2x1600x16xf32, #tpu.memory_space<vmem>> -> memref<1x64x16xf32, #tpu.memory_space<vmem>>
        %dma_start3A_591 = tpu.memref_squeeze %dma_start3A_590 : memref<1x64x16xf32, #tpu.memory_space<vmem>> -> memref<64x16xf32, #tpu.memory_space<vmem>>
        %dma_start3A_592 = tpu.memref_slice %arg7[%add3A_586] : memref<25600xi32, #tpu.memory_space<vmem>> -> memref<64xi32, #tpu.memory_space<vmem>>
        %dma_start3A_593 = arith.constant 0 : i32
        %dma_start3A_594 = arith.constant 0 : i32
        %dma_start3A_595 = tpu.memref_slice %arg4[%dma_start3A_593, %dma_start3A_594] : memref<102400x16xf32, #tpu.memory_space<hbm>> -> memref<102400x16xf32, #tpu.memory_space<hbm>>
        tpu.enqueue_indirect_dma source(%dma_start3A_595 : memref<102400x16xf32, #tpu.memory_space<hbm>>) target(%dma_start3A_591 : memref<64x16xf32, #tpu.memory_space<vmem>>) offsets(%dma_start3A_592 : memref<64xi32, #tpu.memory_space<vmem>>) semaphore(%arg11 : memref<!tpu.dma_semaphore, #tpu.memory_space<semaphore_mem>>)
      } else {
      }
      %mul3A_366 = arith.constant 2 : i32
      %mul3A_367 = arith.muli %mul3A_366, %scan3A_280 : i32
      %add3A_368 = arith.constant 1 : i32
      %add3A_369 = arith.addi %mul3A_367, %add3A_368 : i32
      %dma_wait3A_370 = arith.constant 1 : i32
      %dma_wait3A_371 = arith.constant 0 : i32
      %dma_wait3A_372 = arith.constant 0 : i32
      %dma_wait3A_373 = tpu.memref_slice %arg8[%dma_wait3A_370, %dma_wait3A_371, %dma_wait3A_372] : memref<2x1600x16xf32, #tpu.memory_space<vmem>> -> memref<1x1600x16xf32, #tpu.memory_space<vmem>>
      %dma_wait3A_374 = tpu.memref_squeeze %dma_wait3A_373 : memref<1x1600x16xf32, #tpu.memory_space<vmem>> -> memref<1600x16xf32, #tpu.memory_space<vmem>>
      %dma_wait3A_375 = arith.constant 0 : i32
      %dma_wait3A_376 = arith.constant 0 : i32
      %dma_wait3A_377 = tpu.memref_slice %arg4[%dma_wait3A_375, %dma_wait3A_376] : memref<102400x16xf32, #tpu.memory_space<hbm>> -> memref<1600x16xf32, #tpu.memory_space<hbm>>
      %dma_wait3A_378 = arith.constant 0 : i32
      %dma_wait3A_379 = arith.constant 0 : i32
      %dma_wait3A_380 = tpu.memref_slice %arg8[%dma_wait3A_370, %dma_wait3A_378, %dma_wait3A_379] : memref<2x1600x16xf32, #tpu.memory_space<vmem>> -> memref<1x1600x16xf32, #tpu.memory_space<vmem>>
      %dma_wait3A_381 = tpu.memref_squeeze %dma_wait3A_380 : memref<1x1600x16xf32, #tpu.memory_space<vmem>> -> memref<1600x16xf32, #tpu.memory_space<vmem>>
      %dma_wait3A_382 = arith.constant 0 : i32
      %dma_wait3A_383 = arith.constant 0 : i32
      %dma_wait3A_384 = tpu.memref_slice %arg4[%dma_wait3A_382, %dma_wait3A_383] : memref<102400x16xf32, #tpu.memory_space<hbm>> -> memref<1600x16xf32, #tpu.memory_space<hbm>>
      tpu.wait_dma2 semaphore(%arg12 : memref<!tpu.dma_semaphore, #tpu.memory_space<semaphore_mem>>) src(%dma_wait3A_384 : memref<1600x16xf32, #tpu.memory_space<hbm>>) dst(%dma_wait3A_381 : memref<1600x16xf32, #tpu.memory_space<vmem>>)
      %broadcast_in_dim3A_385 = arith.constant 0.000000e+00 : f32
      %broadcast_in_dim3A_386 = vector.broadcast %broadcast_in_dim3A_385 : f32 to vector<16xf32>
      %scan3A_387 = arith.constant 0 : i32
      %scan3A_388 = arith.constant 100 : i32
      %scan3A_389 = arith.addi %scan3A_387, %scan3A_388 : i32
      %scan3A_390 = arith.constant 1 : i32
      %scan3A_391:8 = scf.for %scan3A_449 = %scan3A_387 to %scan3A_389 step %scan3A_390 iter_args(%scan3A_450 = %broadcast_in_dim3A_386, %scan3A_451 = %broadcast_in_dim3A_386, %scan3A_452 = %broadcast_in_dim3A_386, %scan3A_453 = %broadcast_in_dim3A_386, %scan3A_454 = %broadcast_in_dim3A_386, %scan3A_455 = %broadcast_in_dim3A_386, %scan3A_456 = %broadcast_in_dim3A_386, %scan3A_457 = %broadcast_in_dim3A_386) -> (vector<16xf32>, vector<16xf32>, vector<16xf32>, vector<16xf32>, vector<16xf32>, vector<16xf32>, vector<16xf32>, vector<16xf32>)  : i32 {
        %mul3A_458 = arith.constant 2 : i32
        %mul3A_459 = arith.muli %mul3A_458, %scan3A_449 : i32
        %add3A_460 = arith.constant 0 : i32
        %add3A_461 = arith.addi %add3A_460, %mul3A_459 : i32
        %get3A_462 = arith.constant 1 : i32
        %get3A_463 = arith.index_cast %get3A_462 : i32 to index
        %get3A_464 = arith.index_cast %add3A_461 : i32 to index
        %get3A_465 = arith.constant 0 : index
        %get3A_466 = tpu.vector_load %arg8[%get3A_463, %get3A_464, %get3A_465] {strides = array<i32>} : memref<2x1600x16xf32, #tpu.memory_space<vmem>>, vector<16xf32>,
        %mul3A_467 = arith.constant 2 : i32
        %mul3A_468 = arith.muli %mul3A_467, %scan3A_449 : i32
        %add3A_469 = arith.constant 0 : i32
        %add3A_470 = arith.addi %add3A_469, %mul3A_468 : i32
        %add3A_471 = arith.constant 1 : i32
        %add3A_472 = arith.addi %add3A_470, %add3A_471 : i32
        %get3A_473 = arith.constant 1 : i32
        %get3A_474 = arith.index_cast %get3A_473 : i32 to index
        %get3A_475 = arith.index_cast %add3A_472 : i32 to index
        %get3A_476 = arith.constant 0 : index
        %get3A_477 = tpu.vector_load %arg8[%get3A_474, %get3A_475, %get3A_476] {strides = array<i32>} : memref<2x1600x16xf32, #tpu.memory_space<vmem>>, vector<16xf32>,
        %add3A_478 = arith.addf %get3A_466, %get3A_477 : vector<16xf32>
        %add3A_479 = arith.addf %scan3A_450, %add3A_478 : vector<16xf32>
        %mul3A_480 = arith.constant 2 : i32
        %mul3A_481 = arith.muli %mul3A_480, %scan3A_449 : i32
        %add3A_482 = arith.constant 200 : i32
        %add3A_483 = arith.addi %add3A_482, %mul3A_481 : i32
        %get3A_484 = arith.constant 1 : i32
        %get3A_485 = arith.index_cast %get3A_484 : i32 to index
        %get3A_486 = arith.index_cast %add3A_483 : i32 to index
        %get3A_487 = arith.constant 0 : index
        %get3A_488 = tpu.vector_load %arg8[%get3A_485, %get3A_486, %get3A_487] {strides = array<i32>} : memref<2x1600x16xf32, #tpu.memory_space<vmem>>, vector<16xf32>,
        %mul3A_489 = arith.constant 2 : i32
        %mul3A_490 = arith.muli %mul3A_489, %scan3A_449 : i32
        %add3A_491 = arith.constant 200 : i32
        %add3A_492 = arith.addi %add3A_491, %mul3A_490 : i32
        %add3A_493 = arith.constant 1 : i32
        %add3A_494 = arith.addi %add3A_492, %add3A_493 : i32
        %get3A_495 = arith.constant 1 : i32
        %get3A_496 = arith.index_cast %get3A_495 : i32 to index
        %get3A_497 = arith.index_cast %add3A_494 : i32 to index
        %get3A_498 = arith.constant 0 : index
        %get3A_499 = tpu.vector_load %arg8[%get3A_496, %get3A_497, %get3A_498] {strides = array<i32>} : memref<2x1600x16xf32, #tpu.memory_space<vmem>>, vector<16xf32>,
        %add3A_500 = arith.addf %get3A_488, %get3A_499 : vector<16xf32>
        %add3A_501 = arith.addf %scan3A_451, %add3A_500 : vector<16xf32>
        %mul3A_502 = arith.constant 2 : i32
        %mul3A_503 = arith.muli %mul3A_502, %scan3A_449 : i32
        %add3A_504 = arith.constant 400 : i32
        %add3A_505 = arith.addi %add3A_504, %mul3A_503 : i32
        %get3A_506 = arith.constant 1 : i32
        %get3A_507 = arith.index_cast %get3A_506 : i32 to index
        %get3A_508 = arith.index_cast %add3A_505 : i32 to index
        %get3A_509 = arith.constant 0 : index
        %get3A_510 = tpu.vector_load %arg8[%get3A_507, %get3A_508, %get3A_509] {strides = array<i32>} : memref<2x1600x16xf32, #tpu.memory_space<vmem>>, vector<16xf32>,
        %mul3A_511 = arith.constant 2 : i32
        %mul3A_512 = arith.muli %mul3A_511, %scan3A_449 : i32
        %add3A_513 = arith.constant 400 : i32
        %add3A_514 = arith.addi %add3A_513, %mul3A_512 : i32
        %add3A_515 = arith.constant 1 : i32
        %add3A_516 = arith.addi %add3A_514, %add3A_515 : i32
        %get3A_517 = arith.constant 1 : i32
        %get3A_518 = arith.index_cast %get3A_517 : i32 to index
        %get3A_519 = arith.index_cast %add3A_516 : i32 to index
        %get3A_520 = arith.constant 0 : index
        %get3A_521 = tpu.vector_load %arg8[%get3A_518, %get3A_519, %get3A_520] {strides = array<i32>} : memref<2x1600x16xf32, #tpu.memory_space<vmem>>, vector<16xf32>,
        %add3A_522 = arith.addf %get3A_510, %get3A_521 : vector<16xf32>
        %add3A_523 = arith.addf %scan3A_452, %add3A_522 : vector<16xf32>
        %mul3A_524 = arith.constant 2 : i32
        %mul3A_525 = arith.muli %mul3A_524, %scan3A_449 : i32
        %add3A_526 = arith.constant 600 : i32
        %add3A_527 = arith.addi %add3A_526, %mul3A_525 : i32
        %get3A_528 = arith.constant 1 : i32
        %get3A_529 = arith.index_cast %get3A_528 : i32 to index
        %get3A_530 = arith.index_cast %add3A_527 : i32 to index
        %get3A_531 = arith.constant 0 : index
        %get3A_532 = tpu.vector_load %arg8[%get3A_529, %get3A_530, %get3A_531] {strides = array<i32>} : memref<2x1600x16xf32, #tpu.memory_space<vmem>>, vector<16xf32>,
        %mul3A_533 = arith.constant 2 : i32
        %mul3A_534 = arith.muli %mul3A_533, %scan3A_449 : i32
        %add3A_535 = arith.constant 600 : i32
        %add3A_536 = arith.addi %add3A_535, %mul3A_534 : i32
        %add3A_537 = arith.constant 1 : i32
        %add3A_538 = arith.addi %add3A_536, %add3A_537 : i32
        %get3A_539 = arith.constant 1 : i32
        %get3A_540 = arith.index_cast %get3A_539 : i32 to index
        %get3A_541 = arith.index_cast %add3A_538 : i32 to index
        %get3A_542 = arith.constant 0 : index
        %get3A_543 = tpu.vector_load %arg8[%get3A_540, %get3A_541, %get3A_542] {strides = array<i32>} : memref<2x1600x16xf32, #tpu.memory_space<vmem>>, vector<16xf32>,
        %add3A_544 = arith.addf %get3A_532, %get3A_543 : vector<16xf32>
        %add3A_545 = arith.addf %scan3A_453, %add3A_544 : vector<16xf32>
        %mul3A_546 = arith.constant 2 : i32
        %mul3A_547 = arith.muli %mul3A_546, %scan3A_449 : i32
        %add3A_548 = arith.constant 800 : i32
        %add3A_549 = arith.addi %add3A_548, %mul3A_547 : i32
        %get3A_550 = arith.constant 1 : i32
        %get3A_551 = arith.index_cast %get3A_550 : i32 to index
        %get3A_552 = arith.index_cast %add3A_549 : i32 to index
        %get3A_553 = arith.constant 0 : index
        %get3A_554 = tpu.vector_load %arg8[%get3A_551, %get3A_552, %get3A_553] {strides = array<i32>} : memref<2x1600x16xf32, #tpu.memory_space<vmem>>, vector<16xf32>,
        %mul3A_555 = arith.constant 2 : i32
        %mul3A_556 = arith.muli %mul3A_555, %scan3A_449 : i32
        %add3A_557 = arith.constant 800 : i32
        %add3A_558 = arith.addi %add3A_557, %mul3A_556 : i32
        %add3A_559 = arith.constant 1 : i32
        %add3A_560 = arith.addi %add3A_558, %add3A_559 : i32
        %get3A_561 = arith.constant 1 : i32
        %get3A_562 = arith.index_cast %get3A_561 : i32 to index
        %get3A_563 = arith.index_cast %add3A_560 : i32 to index
        %get3A_564 = arith.constant 0 : index
        %get3A_565 = tpu.vector_load %arg8[%get3A_562, %get3A_563, %get3A_564] {strides = array<i32>} : memref<2x1600x16xf32, #tpu.memory_space<vmem>>, vector<16xf32>,
        %add3A_566 = arith.addf %get3A_554, %get3A_565 : vector<16xf32>
        %add3A_567 = arith.addf %scan3A_454, %add3A_566 : vector<16xf32>
        %mul3A_568 = arith.constant 2 : i32
        %mul3A_569 = arith.muli %mul3A_568, %scan3A_449 : i32
        %add3A_570 = arith.constant 1000 : i32
        %add3A_571 = arith.addi %add3A_570, %mul3A_569 : i32
        %get3A_572 = arith.constant 1 : i32
        %get3A_573 = arith.index_cast %get3A_572 : i32 to index
        %get3A_574 = arith.index_cast %add3A_571 : i32 to index
        %get3A_575 = arith.constant 0 : index
        %get3A_576 = tpu.vector_load %arg8[%get3A_573, %get3A_574, %get3A_575] {strides = array<i32>} : memref<2x1600x16xf32, #tpu.memory_space<vmem>>, vector<16xf32>,
        %mul3A_577 = arith.constant 2 : i32
        %mul3A_578 = arith.muli %mul3A_577, %scan3A_449 : i32
        %add3A_579 = arith.constant 1000 : i32
        %add3A_580 = arith.addi %add3A_579, %mul3A_578 : i32
        %add3A_581 = arith.constant 1 : i32
        %add3A_582 = arith.addi %add3A_580, %add3A_581 : i32
        %get3A_583 = arith.constant 1 : i32
        %get3A_584 = arith.index_cast %get3A_583 : i32 to index
        %get3A_585 = arith.index_cast %add3A_582 : i32 to index
        %get3A_586 = arith.constant 0 : index
        %get3A_587 = tpu.vector_load %arg8[%get3A_584, %get3A_585, %get3A_586] {strides = array<i32>} : memref<2x1600x16xf32, #tpu.memory_space<vmem>>, vector<16xf32>,
        %add3A_588 = arith.addf %get3A_576, %get3A_587 : vector<16xf32>
        %add3A_589 = arith.addf %scan3A_455, %add3A_588 : vector<16xf32>
        %mul3A_590 = arith.constant 2 : i32
        %mul3A_591 = arith.muli %mul3A_590, %scan3A_449 : i32
        %add3A_592 = arith.constant 1200 : i32
        %add3A_593 = arith.addi %add3A_592, %mul3A_591 : i32
        %get3A_594 = arith.constant 1 : i32
        %get3A_595 = arith.index_cast %get3A_594 : i32 to index
        %get3A_596 = arith.index_cast %add3A_593 : i32 to index
        %get3A_597 = arith.constant 0 : index
        %get3A_598 = tpu.vector_load %arg8[%get3A_595, %get3A_596, %get3A_597] {strides = array<i32>} : memref<2x1600x16xf32, #tpu.memory_space<vmem>>, vector<16xf32>,
        %mul3A_599 = arith.constant 2 : i32
        %mul3A_600 = arith.muli %mul3A_599, %scan3A_449 : i32
        %add3A_601 = arith.constant 1200 : i32
        %add3A_602 = arith.addi %add3A_601, %mul3A_600 : i32
        %add3A_603 = arith.constant 1 : i32
        %add3A_604 = arith.addi %add3A_602, %add3A_603 : i32
        %get3A_605 = arith.constant 1 : i32
        %get3A_606 = arith.index_cast %get3A_605 : i32 to index
        %get3A_607 = arith.index_cast %add3A_604 : i32 to index
        %get3A_608 = arith.constant 0 : index
        %get3A_609 = tpu.vector_load %arg8[%get3A_606, %get3A_607, %get3A_608] {strides = array<i32>} : memref<2x1600x16xf32, #tpu.memory_space<vmem>>, vector<16xf32>,
        %add3A_610 = arith.addf %get3A_598, %get3A_609 : vector<16xf32>
        %add3A_611 = arith.addf %scan3A_456, %add3A_610 : vector<16xf32>
        %mul3A_612 = arith.constant 2 : i32
        %mul3A_613 = arith.muli %mul3A_612, %scan3A_449 : i32
        %add3A_614 = arith.constant 1400 : i32
        %add3A_615 = arith.addi %add3A_614, %mul3A_613 : i32
        %get3A_616 = arith.constant 1 : i32
        %get3A_617 = arith.index_cast %get3A_616 : i32 to index
        %get3A_618 = arith.index_cast %add3A_615 : i32 to index
        %get3A_619 = arith.constant 0 : index
        %get3A_620 = tpu.vector_load %arg8[%get3A_617, %get3A_618, %get3A_619] {strides = array<i32>} : memref<2x1600x16xf32, #tpu.memory_space<vmem>>, vector<16xf32>,
        %mul3A_621 = arith.constant 2 : i32
        %mul3A_622 = arith.muli %mul3A_621, %scan3A_449 : i32
        %add3A_623 = arith.constant 1400 : i32
        %add3A_624 = arith.addi %add3A_623, %mul3A_622 : i32
        %add3A_625 = arith.constant 1 : i32
        %add3A_626 = arith.addi %add3A_624, %add3A_625 : i32
        %get3A_627 = arith.constant 1 : i32
        %get3A_628 = arith.index_cast %get3A_627 : i32 to index
        %get3A_629 = arith.index_cast %add3A_626 : i32 to index
        %get3A_630 = arith.constant 0 : index
        %get3A_631 = tpu.vector_load %arg8[%get3A_628, %get3A_629, %get3A_630] {strides = array<i32>} : memref<2x1600x16xf32, #tpu.memory_space<vmem>>, vector<16xf32>,
        %add3A_632 = arith.addf %get3A_620, %get3A_631 : vector<16xf32>
        %add3A_633 = arith.addf %scan3A_457, %add3A_632 : vector<16xf32>
        scf.yield %add3A_479, %add3A_501, %add3A_523, %add3A_545, %add3A_567, %add3A_589, %add3A_611, %add3A_633 : vector<16xf32>, vector<16xf32>, vector<16xf32>, vector<16xf32>, vector<16xf32>, vector<16xf32>, vector<16xf32>, vector<16xf32>
      }
      %scan3A_392 = arith.constant 100 : i32
      %mul3A_393 = arith.constant 8 : i32
      %mul3A_394 = arith.muli %add3A_369, %mul3A_393 : i32
      %add3A_395 = arith.constant 0 : i32
      %add3A_396 = arith.addi %mul3A_394, %add3A_395 : i32
      %broadcast_in_dim3A_397 = vector.broadcast %add3A_396 : i32 to vector<16xi32>
      %add3A_398 = arith.addf %scan3A_391#0, %get3A_3 : vector<16xf32>
      tpu.vector_store_idx %arg9[%iota3A_7, %broadcast_in_dim3A_397], %add3A_398 : memref<16x128xf32, #tpu.memory_space<vmem>>[vector<16xi32>, vector<16xi32>], vector<16xf32>,
      %mul3A_399 = arith.constant 8 : i32
      %mul3A_400 = arith.muli %add3A_369, %mul3A_399 : i32
      %add3A_401 = arith.constant 1 : i32
      %add3A_402 = arith.addi %mul3A_400, %add3A_401 : i32
      %broadcast_in_dim3A_403 = vector.broadcast %add3A_402 : i32 to vector<16xi32>
      %add3A_404 = arith.addf %scan3A_391#1, %get3A_3 : vector<16xf32>
      tpu.vector_store_idx %arg9[%iota3A_7, %broadcast_in_dim3A_403], %add3A_404 : memref<16x128xf32, #tpu.memory_space<vmem>>[vector<16xi32>, vector<16xi32>], vector<16xf32>,
      %mul3A_405 = arith.constant 8 : i32
      %mul3A_406 = arith.muli %add3A_369, %mul3A_405 : i32
      %add3A_407 = arith.constant 2 : i32
      %add3A_408 = arith.addi %mul3A_406, %add3A_407 : i32
      %broadcast_in_dim3A_409 = vector.broadcast %add3A_408 : i32 to vector<16xi32>
      %add3A_410 = arith.addf %scan3A_391#2, %get3A_3 : vector<16xf32>
      tpu.vector_store_idx %arg9[%iota3A_7, %broadcast_in_dim3A_409], %add3A_410 : memref<16x128xf32, #tpu.memory_space<vmem>>[vector<16xi32>, vector<16xi32>], vector<16xf32>,
      %mul3A_411 = arith.constant 8 : i32
      %mul3A_412 = arith.muli %add3A_369, %mul3A_411 : i32
      %add3A_413 = arith.constant 3 : i32
      %add3A_414 = arith.addi %mul3A_412, %add3A_413 : i32
      %broadcast_in_dim3A_415 = vector.broadcast %add3A_414 : i32 to vector<16xi32>
      %add3A_416 = arith.addf %scan3A_391#3, %get3A_3 : vector<16xf32>
      tpu.vector_store_idx %arg9[%iota3A_7, %broadcast_in_dim3A_415], %add3A_416 : memref<16x128xf32, #tpu.memory_space<vmem>>[vector<16xi32>, vector<16xi32>], vector<16xf32>,
      %mul3A_417 = arith.constant 8 : i32
      %mul3A_418 = arith.muli %add3A_369, %mul3A_417 : i32
      %add3A_419 = arith.constant 4 : i32
      %add3A_420 = arith.addi %mul3A_418, %add3A_419 : i32
      %broadcast_in_dim3A_421 = vector.broadcast %add3A_420 : i32 to vector<16xi32>
      %add3A_422 = arith.addf %scan3A_391#4, %get3A_3 : vector<16xf32>
      tpu.vector_store_idx %arg9[%iota3A_7, %broadcast_in_dim3A_421], %add3A_422 : memref<16x128xf32, #tpu.memory_space<vmem>>[vector<16xi32>, vector<16xi32>], vector<16xf32>,
      %mul3A_423 = arith.constant 8 : i32
      %mul3A_424 = arith.muli %add3A_369, %mul3A_423 : i32
      %add3A_425 = arith.constant 5 : i32
      %add3A_426 = arith.addi %mul3A_424, %add3A_425 : i32
      %broadcast_in_dim3A_427 = vector.broadcast %add3A_426 : i32 to vector<16xi32>
      %add3A_428 = arith.addf %scan3A_391#5, %get3A_3 : vector<16xf32>
      tpu.vector_store_idx %arg9[%iota3A_7, %broadcast_in_dim3A_427], %add3A_428 : memref<16x128xf32, #tpu.memory_space<vmem>>[vector<16xi32>, vector<16xi32>], vector<16xf32>,
      %mul3A_429 = arith.constant 8 : i32
      %mul3A_430 = arith.muli %add3A_369, %mul3A_429 : i32
      %add3A_431 = arith.constant 6 : i32
      %add3A_432 = arith.addi %mul3A_430, %add3A_431 : i32
      %broadcast_in_dim3A_433 = vector.broadcast %add3A_432 : i32 to vector<16xi32>
      %add3A_434 = arith.addf %scan3A_391#6, %get3A_3 : vector<16xf32>
      tpu.vector_store_idx %arg9[%iota3A_7, %broadcast_in_dim3A_433], %add3A_434 : memref<16x128xf32, #tpu.memory_space<vmem>>[vector<16xi32>, vector<16xi32>], vector<16xf32>,
      %mul3A_435 = arith.constant 8 : i32
      %mul3A_436 = arith.muli %add3A_369, %mul3A_435 : i32
      %add3A_437 = arith.constant 7 : i32
      %add3A_438 = arith.addi %mul3A_436, %add3A_437 : i32
      %broadcast_in_dim3A_439 = vector.broadcast %add3A_438 : i32 to vector<16xi32>
      %add3A_440 = arith.addf %scan3A_391#7, %get3A_3 : vector<16xf32>
      tpu.vector_store_idx %arg9[%iota3A_7, %broadcast_in_dim3A_439], %add3A_440 : memref<16x128xf32, #tpu.memory_space<vmem>>[vector<16xi32>, vector<16xi32>], vector<16xf32>,
      %add3A_441 = arith.constant 2 : i32
      %add3A_442 = arith.addi %add3A_369, %add3A_441 : i32
      %lt3A_443 = arith.constant 16 : i32
      %lt3A_444 = arith.cmpi slt, %add3A_442, %lt3A_443 : i32
      %convert_element_type3A_445 = arith.extui %lt3A_444 : i1 to i32
      %cond3A_446 = arith.constant 0 : i32
      %cond3A_447 = arith.cmpi ne, %convert_element_type3A_445, %cond3A_446 : i32
      scf.if %cond3A_447 {
        %add3A_449 = arith.constant 2 : i32
        %add3A_450 = arith.addi %add3A_369, %add3A_449 : i32
        %mul3A_451 = arith.constant 1600 : i32
        %mul3A_452 = arith.muli %add3A_450, %mul3A_451 : i32
        %add3A_453 = arith.constant 0 : i32
        %add3A_454 = arith.addi %mul3A_452, %add3A_453 : i32
        %dma_start3A_455 = arith.constant 1 : i32
        %dma_start3A_456 = arith.constant 0 : i32
        %dma_start3A_457 = arith.constant 0 : i32
        %dma_start3A_458 = tpu.memref_slice %arg8[%dma_start3A_455, %dma_start3A_456, %dma_start3A_457] : memref<2x1600x16xf32, #tpu.memory_space<vmem>> -> memref<1x128x16xf32, #tpu.memory_space<vmem>>
        %dma_start3A_459 = tpu.memref_squeeze %dma_start3A_458 : memref<1x128x16xf32, #tpu.memory_space<vmem>> -> memref<128x16xf32, #tpu.memory_space<vmem>>
        %dma_start3A_460 = tpu.memref_slice %arg7[%add3A_454] : memref<25600xi32, #tpu.memory_space<vmem>> -> memref<128xi32, #tpu.memory_space<vmem>>
        %dma_start3A_461 = arith.constant 0 : i32
        %dma_start3A_462 = arith.constant 0 : i32
        %dma_start3A_463 = tpu.memref_slice %arg4[%dma_start3A_461, %dma_start3A_462] : memref<102400x16xf32, #tpu.memory_space<hbm>> -> memref<102400x16xf32, #tpu.memory_space<hbm>>
        tpu.enqueue_indirect_dma source(%dma_start3A_463 : memref<102400x16xf32, #tpu.memory_space<hbm>>) target(%dma_start3A_459 : memref<128x16xf32, #tpu.memory_space<vmem>>) offsets(%dma_start3A_460 : memref<128xi32, #tpu.memory_space<vmem>>) semaphore(%arg12 : memref<!tpu.dma_semaphore, #tpu.memory_space<semaphore_mem>>)
        %add3A_464 = arith.constant 128 : i32
        %add3A_465 = arith.addi %mul3A_452, %add3A_464 : i32
        %dma_start3A_466 = arith.constant 1 : i32
        %dma_start3A_467 = arith.constant 128 : i32
        %dma_start3A_468 = arith.constant 0 : i32
        %dma_start3A_469 = tpu.memref_slice %arg8[%dma_start3A_466, %dma_start3A_467, %dma_start3A_468] : memref<2x1600x16xf32, #tpu.memory_space<vmem>> -> memref<1x128x16xf32, #tpu.memory_space<vmem>>
        %dma_start3A_470 = tpu.memref_squeeze %dma_start3A_469 : memref<1x128x16xf32, #tpu.memory_space<vmem>> -> memref<128x16xf32, #tpu.memory_space<vmem>>
        %dma_start3A_471 = tpu.memref_slice %arg7[%add3A_465] : memref<25600xi32, #tpu.memory_space<vmem>> -> memref<128xi32, #tpu.memory_space<vmem>>
        %dma_start3A_472 = arith.constant 0 : i32
        %dma_start3A_473 = arith.constant 0 : i32
        %dma_start3A_474 = tpu.memref_slice %arg4[%dma_start3A_472, %dma_start3A_473] : memref<102400x16xf32, #tpu.memory_space<hbm>> -> memref<102400x16xf32, #tpu.memory_space<hbm>>
        tpu.enqueue_indirect_dma source(%dma_start3A_474 : memref<102400x16xf32, #tpu.memory_space<hbm>>) target(%dma_start3A_470 : memref<128x16xf32, #tpu.memory_space<vmem>>) offsets(%dma_start3A_471 : memref<128xi32, #tpu.memory_space<vmem>>) semaphore(%arg12 : memref<!tpu.dma_semaphore, #tpu.memory_space<semaphore_mem>>)
        %add3A_475 = arith.constant 256 : i32
        %add3A_476 = arith.addi %mul3A_452, %add3A_475 : i32
        %dma_start3A_477 = arith.constant 1 : i32
        %dma_start3A_478 = arith.constant 256 : i32
        %dma_start3A_479 = arith.constant 0 : i32
        %dma_start3A_480 = tpu.memref_slice %arg8[%dma_start3A_477, %dma_start3A_478, %dma_start3A_479] : memref<2x1600x16xf32, #tpu.memory_space<vmem>> -> memref<1x128x16xf32, #tpu.memory_space<vmem>>
        %dma_start3A_481 = tpu.memref_squeeze %dma_start3A_480 : memref<1x128x16xf32, #tpu.memory_space<vmem>> -> memref<128x16xf32, #tpu.memory_space<vmem>>
        %dma_start3A_482 = tpu.memref_slice %arg7[%add3A_476] : memref<25600xi32, #tpu.memory_space<vmem>> -> memref<128xi32, #tpu.memory_space<vmem>>
        %dma_start3A_483 = arith.constant 0 : i32
        %dma_start3A_484 = arith.constant 0 : i32
        %dma_start3A_485 = tpu.memref_slice %arg4[%dma_start3A_483, %dma_start3A_484] : memref<102400x16xf32, #tpu.memory_space<hbm>> -> memref<102400x16xf32, #tpu.memory_space<hbm>>
        tpu.enqueue_indirect_dma source(%dma_start3A_485 : memref<102400x16xf32, #tpu.memory_space<hbm>>) target(%dma_start3A_481 : memref<128x16xf32, #tpu.memory_space<vmem>>) offsets(%dma_start3A_482 : memref<128xi32, #tpu.memory_space<vmem>>) semaphore(%arg12 : memref<!tpu.dma_semaphore, #tpu.memory_space<semaphore_mem>>)
        %add3A_486 = arith.constant 384 : i32
        %add3A_487 = arith.addi %mul3A_452, %add3A_486 : i32
        %dma_start3A_488 = arith.constant 1 : i32
        %dma_start3A_489 = arith.constant 384 : i32
        %dma_start3A_490 = arith.constant 0 : i32
        %dma_start3A_491 = tpu.memref_slice %arg8[%dma_start3A_488, %dma_start3A_489, %dma_start3A_490] : memref<2x1600x16xf32, #tpu.memory_space<vmem>> -> memref<1x128x16xf32, #tpu.memory_space<vmem>>
        %dma_start3A_492 = tpu.memref_squeeze %dma_start3A_491 : memref<1x128x16xf32, #tpu.memory_space<vmem>> -> memref<128x16xf32, #tpu.memory_space<vmem>>
        %dma_start3A_493 = tpu.memref_slice %arg7[%add3A_487] : memref<25600xi32, #tpu.memory_space<vmem>> -> memref<128xi32, #tpu.memory_space<vmem>>
        %dma_start3A_494 = arith.constant 0 : i32
        %dma_start3A_495 = arith.constant 0 : i32
        %dma_start3A_496 = tpu.memref_slice %arg4[%dma_start3A_494, %dma_start3A_495] : memref<102400x16xf32, #tpu.memory_space<hbm>> -> memref<102400x16xf32, #tpu.memory_space<hbm>>
        tpu.enqueue_indirect_dma source(%dma_start3A_496 : memref<102400x16xf32, #tpu.memory_space<hbm>>) target(%dma_start3A_492 : memref<128x16xf32, #tpu.memory_space<vmem>>) offsets(%dma_start3A_493 : memref<128xi32, #tpu.memory_space<vmem>>) semaphore(%arg12 : memref<!tpu.dma_semaphore, #tpu.memory_space<semaphore_mem>>)
        %add3A_497 = arith.constant 512 : i32
        %add3A_498 = arith.addi %mul3A_452, %add3A_497 : i32
        %dma_start3A_499 = arith.constant 1 : i32
        %dma_start3A_500 = arith.constant 512 : i32
        %dma_start3A_501 = arith.constant 0 : i32
        %dma_start3A_502 = tpu.memref_slice %arg8[%dma_start3A_499, %dma_start3A_500, %dma_start3A_501] : memref<2x1600x16xf32, #tpu.memory_space<vmem>> -> memref<1x128x16xf32, #tpu.memory_space<vmem>>
        %dma_start3A_503 = tpu.memref_squeeze %dma_start3A_502 : memref<1x128x16xf32, #tpu.memory_space<vmem>> -> memref<128x16xf32, #tpu.memory_space<vmem>>
        %dma_start3A_504 = tpu.memref_slice %arg7[%add3A_498] : memref<25600xi32, #tpu.memory_space<vmem>> -> memref<128xi32, #tpu.memory_space<vmem>>
        %dma_start3A_505 = arith.constant 0 : i32
        %dma_start3A_506 = arith.constant 0 : i32
        %dma_start3A_507 = tpu.memref_slice %arg4[%dma_start3A_505, %dma_start3A_506] : memref<102400x16xf32, #tpu.memory_space<hbm>> -> memref<102400x16xf32, #tpu.memory_space<hbm>>
        tpu.enqueue_indirect_dma source(%dma_start3A_507 : memref<102400x16xf32, #tpu.memory_space<hbm>>) target(%dma_start3A_503 : memref<128x16xf32, #tpu.memory_space<vmem>>) offsets(%dma_start3A_504 : memref<128xi32, #tpu.memory_space<vmem>>) semaphore(%arg12 : memref<!tpu.dma_semaphore, #tpu.memory_space<semaphore_mem>>)
        %add3A_508 = arith.constant 640 : i32
        %add3A_509 = arith.addi %mul3A_452, %add3A_508 : i32
        %dma_start3A_510 = arith.constant 1 : i32
        %dma_start3A_511 = arith.constant 640 : i32
        %dma_start3A_512 = arith.constant 0 : i32
        %dma_start3A_513 = tpu.memref_slice %arg8[%dma_start3A_510, %dma_start3A_511, %dma_start3A_512] : memref<2x1600x16xf32, #tpu.memory_space<vmem>> -> memref<1x128x16xf32, #tpu.memory_space<vmem>>
        %dma_start3A_514 = tpu.memref_squeeze %dma_start3A_513 : memref<1x128x16xf32, #tpu.memory_space<vmem>> -> memref<128x16xf32, #tpu.memory_space<vmem>>
        %dma_start3A_515 = tpu.memref_slice %arg7[%add3A_509] : memref<25600xi32, #tpu.memory_space<vmem>> -> memref<128xi32, #tpu.memory_space<vmem>>
        %dma_start3A_516 = arith.constant 0 : i32
        %dma_start3A_517 = arith.constant 0 : i32
        %dma_start3A_518 = tpu.memref_slice %arg4[%dma_start3A_516, %dma_start3A_517] : memref<102400x16xf32, #tpu.memory_space<hbm>> -> memref<102400x16xf32, #tpu.memory_space<hbm>>
        tpu.enqueue_indirect_dma source(%dma_start3A_518 : memref<102400x16xf32, #tpu.memory_space<hbm>>) target(%dma_start3A_514 : memref<128x16xf32, #tpu.memory_space<vmem>>) offsets(%dma_start3A_515 : memref<128xi32, #tpu.memory_space<vmem>>) semaphore(%arg12 : memref<!tpu.dma_semaphore, #tpu.memory_space<semaphore_mem>>)
        %add3A_519 = arith.constant 768 : i32
        %add3A_520 = arith.addi %mul3A_452, %add3A_519 : i32
        %dma_start3A_521 = arith.constant 1 : i32
        %dma_start3A_522 = arith.constant 768 : i32
        %dma_start3A_523 = arith.constant 0 : i32
        %dma_start3A_524 = tpu.memref_slice %arg8[%dma_start3A_521, %dma_start3A_522, %dma_start3A_523] : memref<2x1600x16xf32, #tpu.memory_space<vmem>> -> memref<1x128x16xf32, #tpu.memory_space<vmem>>
        %dma_start3A_525 = tpu.memref_squeeze %dma_start3A_524 : memref<1x128x16xf32, #tpu.memory_space<vmem>> -> memref<128x16xf32, #tpu.memory_space<vmem>>
        %dma_start3A_526 = tpu.memref_slice %arg7[%add3A_520] : memref<25600xi32, #tpu.memory_space<vmem>> -> memref<128xi32, #tpu.memory_space<vmem>>
        %dma_start3A_527 = arith.constant 0 : i32
        %dma_start3A_528 = arith.constant 0 : i32
        %dma_start3A_529 = tpu.memref_slice %arg4[%dma_start3A_527, %dma_start3A_528] : memref<102400x16xf32, #tpu.memory_space<hbm>> -> memref<102400x16xf32, #tpu.memory_space<hbm>>
        tpu.enqueue_indirect_dma source(%dma_start3A_529 : memref<102400x16xf32, #tpu.memory_space<hbm>>) target(%dma_start3A_525 : memref<128x16xf32, #tpu.memory_space<vmem>>) offsets(%dma_start3A_526 : memref<128xi32, #tpu.memory_space<vmem>>) semaphore(%arg12 : memref<!tpu.dma_semaphore, #tpu.memory_space<semaphore_mem>>)
        %add3A_530 = arith.constant 896 : i32
        %add3A_531 = arith.addi %mul3A_452, %add3A_530 : i32
        %dma_start3A_532 = arith.constant 1 : i32
        %dma_start3A_533 = arith.constant 896 : i32
        %dma_start3A_534 = arith.constant 0 : i32
        %dma_start3A_535 = tpu.memref_slice %arg8[%dma_start3A_532, %dma_start3A_533, %dma_start3A_534] : memref<2x1600x16xf32, #tpu.memory_space<vmem>> -> memref<1x128x16xf32, #tpu.memory_space<vmem>>
        %dma_start3A_536 = tpu.memref_squeeze %dma_start3A_535 : memref<1x128x16xf32, #tpu.memory_space<vmem>> -> memref<128x16xf32, #tpu.memory_space<vmem>>
        %dma_start3A_537 = tpu.memref_slice %arg7[%add3A_531] : memref<25600xi32, #tpu.memory_space<vmem>> -> memref<128xi32, #tpu.memory_space<vmem>>
        %dma_start3A_538 = arith.constant 0 : i32
        %dma_start3A_539 = arith.constant 0 : i32
        %dma_start3A_540 = tpu.memref_slice %arg4[%dma_start3A_538, %dma_start3A_539] : memref<102400x16xf32, #tpu.memory_space<hbm>> -> memref<102400x16xf32, #tpu.memory_space<hbm>>
        tpu.enqueue_indirect_dma source(%dma_start3A_540 : memref<102400x16xf32, #tpu.memory_space<hbm>>) target(%dma_start3A_536 : memref<128x16xf32, #tpu.memory_space<vmem>>) offsets(%dma_start3A_537 : memref<128xi32, #tpu.memory_space<vmem>>) semaphore(%arg12 : memref<!tpu.dma_semaphore, #tpu.memory_space<semaphore_mem>>)
        %add3A_541 = arith.constant 1024 : i32
        %add3A_542 = arith.addi %mul3A_452, %add3A_541 : i32
        %dma_start3A_543 = arith.constant 1 : i32
        %dma_start3A_544 = arith.constant 1024 : i32
        %dma_start3A_545 = arith.constant 0 : i32
        %dma_start3A_546 = tpu.memref_slice %arg8[%dma_start3A_543, %dma_start3A_544, %dma_start3A_545] : memref<2x1600x16xf32, #tpu.memory_space<vmem>> -> memref<1x128x16xf32, #tpu.memory_space<vmem>>
        %dma_start3A_547 = tpu.memref_squeeze %dma_start3A_546 : memref<1x128x16xf32, #tpu.memory_space<vmem>> -> memref<128x16xf32, #tpu.memory_space<vmem>>
        %dma_start3A_548 = tpu.memref_slice %arg7[%add3A_542] : memref<25600xi32, #tpu.memory_space<vmem>> -> memref<128xi32, #tpu.memory_space<vmem>>
        %dma_start3A_549 = arith.constant 0 : i32
        %dma_start3A_550 = arith.constant 0 : i32
        %dma_start3A_551 = tpu.memref_slice %arg4[%dma_start3A_549, %dma_start3A_550] : memref<102400x16xf32, #tpu.memory_space<hbm>> -> memref<102400x16xf32, #tpu.memory_space<hbm>>
        tpu.enqueue_indirect_dma source(%dma_start3A_551 : memref<102400x16xf32, #tpu.memory_space<hbm>>) target(%dma_start3A_547 : memref<128x16xf32, #tpu.memory_space<vmem>>) offsets(%dma_start3A_548 : memref<128xi32, #tpu.memory_space<vmem>>) semaphore(%arg12 : memref<!tpu.dma_semaphore, #tpu.memory_space<semaphore_mem>>)
        %add3A_552 = arith.constant 1152 : i32
        %add3A_553 = arith.addi %mul3A_452, %add3A_552 : i32
        %dma_start3A_554 = arith.constant 1 : i32
        %dma_start3A_555 = arith.constant 1152 : i32
        %dma_start3A_556 = arith.constant 0 : i32
        %dma_start3A_557 = tpu.memref_slice %arg8[%dma_start3A_554, %dma_start3A_555, %dma_start3A_556] : memref<2x1600x16xf32, #tpu.memory_space<vmem>> -> memref<1x128x16xf32, #tpu.memory_space<vmem>>
        %dma_start3A_558 = tpu.memref_squeeze %dma_start3A_557 : memref<1x128x16xf32, #tpu.memory_space<vmem>> -> memref<128x16xf32, #tpu.memory_space<vmem>>
        %dma_start3A_559 = tpu.memref_slice %arg7[%add3A_553] : memref<25600xi32, #tpu.memory_space<vmem>> -> memref<128xi32, #tpu.memory_space<vmem>>
        %dma_start3A_560 = arith.constant 0 : i32
        %dma_start3A_561 = arith.constant 0 : i32
        %dma_start3A_562 = tpu.memref_slice %arg4[%dma_start3A_560, %dma_start3A_561] : memref<102400x16xf32, #tpu.memory_space<hbm>> -> memref<102400x16xf32, #tpu.memory_space<hbm>>
        tpu.enqueue_indirect_dma source(%dma_start3A_562 : memref<102400x16xf32, #tpu.memory_space<hbm>>) target(%dma_start3A_558 : memref<128x16xf32, #tpu.memory_space<vmem>>) offsets(%dma_start3A_559 : memref<128xi32, #tpu.memory_space<vmem>>) semaphore(%arg12 : memref<!tpu.dma_semaphore, #tpu.memory_space<semaphore_mem>>)
        %add3A_563 = arith.constant 1280 : i32
        %add3A_564 = arith.addi %mul3A_452, %add3A_563 : i32
        %dma_start3A_565 = arith.constant 1 : i32
        %dma_start3A_566 = arith.constant 1280 : i32
        %dma_start3A_567 = arith.constant 0 : i32
        %dma_start3A_568 = tpu.memref_slice %arg8[%dma_start3A_565, %dma_start3A_566, %dma_start3A_567] : memref<2x1600x16xf32, #tpu.memory_space<vmem>> -> memref<1x128x16xf32, #tpu.memory_space<vmem>>
        %dma_start3A_569 = tpu.memref_squeeze %dma_start3A_568 : memref<1x128x16xf32, #tpu.memory_space<vmem>> -> memref<128x16xf32, #tpu.memory_space<vmem>>
        %dma_start3A_570 = tpu.memref_slice %arg7[%add3A_564] : memref<25600xi32, #tpu.memory_space<vmem>> -> memref<128xi32, #tpu.memory_space<vmem>>
        %dma_start3A_571 = arith.constant 0 : i32
        %dma_start3A_572 = arith.constant 0 : i32
        %dma_start3A_573 = tpu.memref_slice %arg4[%dma_start3A_571, %dma_start3A_572] : memref<102400x16xf32, #tpu.memory_space<hbm>> -> memref<102400x16xf32, #tpu.memory_space<hbm>>
        tpu.enqueue_indirect_dma source(%dma_start3A_573 : memref<102400x16xf32, #tpu.memory_space<hbm>>) target(%dma_start3A_569 : memref<128x16xf32, #tpu.memory_space<vmem>>) offsets(%dma_start3A_570 : memref<128xi32, #tpu.memory_space<vmem>>) semaphore(%arg12 : memref<!tpu.dma_semaphore, #tpu.memory_space<semaphore_mem>>)
        %add3A_574 = arith.constant 1408 : i32
        %add3A_575 = arith.addi %mul3A_452, %add3A_574 : i32
        %dma_start3A_576 = arith.constant 1 : i32
        %dma_start3A_577 = arith.constant 1408 : i32
        %dma_start3A_578 = arith.constant 0 : i32
        %dma_start3A_579 = tpu.memref_slice %arg8[%dma_start3A_576, %dma_start3A_577, %dma_start3A_578] : memref<2x1600x16xf32, #tpu.memory_space<vmem>> -> memref<1x128x16xf32, #tpu.memory_space<vmem>>
        %dma_start3A_580 = tpu.memref_squeeze %dma_start3A_579 : memref<1x128x16xf32, #tpu.memory_space<vmem>> -> memref<128x16xf32, #tpu.memory_space<vmem>>
        %dma_start3A_581 = tpu.memref_slice %arg7[%add3A_575] : memref<25600xi32, #tpu.memory_space<vmem>> -> memref<128xi32, #tpu.memory_space<vmem>>
        %dma_start3A_582 = arith.constant 0 : i32
        %dma_start3A_583 = arith.constant 0 : i32
        %dma_start3A_584 = tpu.memref_slice %arg4[%dma_start3A_582, %dma_start3A_583] : memref<102400x16xf32, #tpu.memory_space<hbm>> -> memref<102400x16xf32, #tpu.memory_space<hbm>>
        tpu.enqueue_indirect_dma source(%dma_start3A_584 : memref<102400x16xf32, #tpu.memory_space<hbm>>) target(%dma_start3A_580 : memref<128x16xf32, #tpu.memory_space<vmem>>) offsets(%dma_start3A_581 : memref<128xi32, #tpu.memory_space<vmem>>) semaphore(%arg12 : memref<!tpu.dma_semaphore, #tpu.memory_space<semaphore_mem>>)
        %add3A_585 = arith.constant 1536 : i32
        %add3A_586 = arith.addi %mul3A_452, %add3A_585 : i32
        %dma_start3A_587 = arith.constant 1 : i32
        %dma_start3A_588 = arith.constant 1536 : i32
        %dma_start3A_589 = arith.constant 0 : i32
        %dma_start3A_590 = tpu.memref_slice %arg8[%dma_start3A_587, %dma_start3A_588, %dma_start3A_589] : memref<2x1600x16xf32, #tpu.memory_space<vmem>> -> memref<1x64x16xf32, #tpu.memory_space<vmem>>
        %dma_start3A_591 = tpu.memref_squeeze %dma_start3A_590 : memref<1x64x16xf32, #tpu.memory_space<vmem>> -> memref<64x16xf32, #tpu.memory_space<vmem>>
        %dma_start3A_592 = tpu.memref_slice %arg7[%add3A_586] : memref<25600xi32, #tpu.memory_space<vmem>> -> memref<64xi32, #tpu.memory_space<vmem>>
        %dma_start3A_593 = arith.constant 0 : i32
        %dma_start3A_594 = arith.constant 0 : i32
        %dma_start3A_595 = tpu.memref_slice %arg4[%dma_start3A_593, %dma_start3A_594] : memref<102400x16xf32, #tpu.memory_space<hbm>> -> memref<102400x16xf32, #tpu.memory_space<hbm>>
        tpu.enqueue_indirect_dma source(%dma_start3A_595 : memref<102400x16xf32, #tpu.memory_space<hbm>>) target(%dma_start3A_591 : memref<64x16xf32, #tpu.memory_space<vmem>>) offsets(%dma_start3A_592 : memref<64xi32, #tpu.memory_space<vmem>>) semaphore(%arg12 : memref<!tpu.dma_semaphore, #tpu.memory_space<semaphore_mem>>)
      } else {
      }
      %scan3A_448 = arith.constant 0 : i32
      scf.yield %scan3A_448 : i32
    }
    %scan3A_279 = arith.constant 8 : i32
    "tpu.region"() ({
      %run_scoped3A = tpu.sem_alloc : memref<!tpu.dma_semaphore, #tpu.memory_space<semaphore_mem>>
      %dma_start3A_280 = arith.constant 0 : i32
      %dma_start3A_281 = tpu.memref_slice %arg5[%dma_start3A_280, %mul3A_2] : memref<16x4096xf32, #tpu.memory_space<hbm>> -> memref<16x128xf32, #tpu.memory_space<hbm>>
      %dma_start3A_282 = arith.constant 0 : i32
      %dma_start3A_283 = tpu.memref_slice %arg5[%dma_start3A_282, %mul3A_2] : memref<16x4096xf32, #tpu.memory_space<hbm>> -> memref<16x128xf32, #tpu.memory_space<hbm>>
      tpu.enqueue_dma source(%arg9 : memref<16x128xf32, #tpu.memory_space<vmem>>) target(%dma_start3A_283 : memref<16x128xf32, #tpu.memory_space<hbm>>) target_semaphore(%run_scoped3A : memref<!tpu.dma_semaphore, #tpu.memory_space<semaphore_mem>>)
      %dma_wait3A = arith.constant 0 : i32
      %dma_wait3A_284 = tpu.memref_slice %arg5[%dma_wait3A, %mul3A_2] : memref<16x4096xf32, #tpu.memory_space<hbm>> -> memref<16x128xf32, #tpu.memory_space<hbm>>
      %dma_wait3A_285 = arith.constant 0 : i32
      %dma_wait3A_286 = tpu.memref_slice %arg5[%dma_wait3A_285, %mul3A_2] : memref<16x4096xf32, #tpu.memory_space<hbm>> -> memref<16x128xf32, #tpu.memory_space<hbm>>
      tpu.wait_dma2 semaphore(%run_scoped3A : memref<!tpu.dma_semaphore, #tpu.memory_space<semaphore_mem>>) src(%arg9 : memref<16x128xf32, #tpu.memory_space<vmem>>) dst(%dma_wait3A_286 : memref<16x128xf32, #tpu.memory_space<hbm>>)
      tpu.yield
    }) : () -> ()
    return
  }
}

module attributes {stable_mosaic.version = 14 : i64} {
  func.func @_proj_body(%arg0: i32, %arg1: memref<64x2560xf32, #tpu.memory_space<vmem>>, %arg2: memref<64x2560xf32, #tpu.memory_space<vmem>>, %arg3: memref<64x2560xf32, #tpu.memory_space<vmem>>, %arg4: memref<64x2560xf32, #tpu.memory_space<vmem>>, %arg5: memref<64x2560xf32, #tpu.memory_space<vmem>>, %arg6: memref<64x2560xf32, #tpu.memory_space<vmem>>, %arg7: memref<64x2560xf32, #tpu.memory_space<vmem>>, %arg8: memref<64x2560xf32, #tpu.memory_space<vmem>>, %arg9: memref<512x128xf32, #tpu.memory_space<vmem>>, %arg10: memref<2560x128xf32, #tpu.memory_space<vmem>>) attributes {dimension_semantics = [#tpu.dimension_semantics<arbitrary>], iteration_bounds = array<i64: 5>, scalar_prefetch = 0 : i64, scratch_operands = 0 : i64, tpu.core_type = #tpu.core_type<tc>, window_params = [{transform_indices = @transform_0, window_bounds = array<i64: 64, 2560>}, {transform_indices = @transform_1, window_bounds = array<i64: 64, 2560>}, {transform_indices = @transform_2, window_bounds = array<i64: 64, 2560>}, {transform_indices = @transform_3, window_bounds = array<i64: 64, 2560>}, {transform_indices = @transform_4, window_bounds = array<i64: 64, 2560>}, {transform_indices = @transform_5, window_bounds = array<i64: 64, 2560>}, {transform_indices = @transform_6, window_bounds = array<i64: 64, 2560>}, {transform_indices = @transform_7, window_bounds = array<i64: 64, 2560>}, {pipeline_mode = #tpu.pipeline_mode<synchronous>, transform_indices = @transform_8, window_bounds = array<i64: 512, 128>}, {transform_indices = @transform_9, window_bounds = array<i64: 2560, 128>}]} {
    %broadcast_in_dim3A = arith.constant 0.000000e+00 : f32
    %broadcast_in_dim3A_0 = vector.broadcast %broadcast_in_dim3A : f32 to vector<2560x128xf32>
    %get3A = arith.constant 0 : index
    %get3A_1 = arith.constant 0 : index
    %get3A_2 = vector.load %arg1[%get3A, %get3A_1] : memref<64x2560xf32, #tpu.memory_space<vmem>>, vector<64x2560xf32>
    %get3A_3 = arith.constant 0 : index
    %get3A_4 = arith.constant 0 : index
    %get3A_5 = vector.load %arg9[%get3A_3, %get3A_4] : memref<512x128xf32, #tpu.memory_space<vmem>>, vector<64x128xf32>
    %dot_general3A = arith.constant dense<0.000000e+00> : vector<2560x128xf32>
    %dot_general3A_6 = tpu.matmul %get3A_2, %get3A_5, %dot_general3A {dimension_numbers = #tpu.dot_dimension_numbers<[0], [0], [1], [1], [0, 1, 1, 1], [], []>, transpose_lhs_hint = false} : vector<64x2560xf32>, vector<64x128xf32>, vector<2560x128xf32> -> vector<2560x128xf32>
    %add3A = arith.addf %broadcast_in_dim3A_0, %dot_general3A_6 : vector<2560x128xf32>
    %get3A_7 = arith.constant 0 : index
    %get3A_8 = arith.constant 0 : index
    %get3A_9 = vector.load %arg2[%get3A_7, %get3A_8] : memref<64x2560xf32, #tpu.memory_space<vmem>>, vector<64x2560xf32>
    %get3A_10 = arith.constant 64 : index
    %get3A_11 = arith.constant 0 : index
    %get3A_12 = vector.load %arg9[%get3A_10, %get3A_11] : memref<512x128xf32, #tpu.memory_space<vmem>>, vector<64x128xf32>
    %dot_general3A_13 = arith.constant dense<0.000000e+00> : vector<2560x128xf32>
    %dot_general3A_14 = tpu.matmul %get3A_9, %get3A_12, %dot_general3A_13 {dimension_numbers = #tpu.dot_dimension_numbers<[0], [0], [1], [1], [0, 1, 1, 1], [], []>, transpose_lhs_hint = false} : vector<64x2560xf32>, vector<64x128xf32>, vector<2560x128xf32> -> vector<2560x128xf32>
    %add3A_15 = arith.addf %add3A, %dot_general3A_14 : vector<2560x128xf32>
    %get3A_16 = arith.constant 0 : index
    %get3A_17 = arith.constant 0 : index
    %get3A_18 = vector.load %arg3[%get3A_16, %get3A_17] : memref<64x2560xf32, #tpu.memory_space<vmem>>, vector<64x2560xf32>
    %get3A_19 = arith.constant 128 : index
    %get3A_20 = arith.constant 0 : index
    %get3A_21 = vector.load %arg9[%get3A_19, %get3A_20] : memref<512x128xf32, #tpu.memory_space<vmem>>, vector<64x128xf32>
    %dot_general3A_22 = arith.constant dense<0.000000e+00> : vector<2560x128xf32>
    %dot_general3A_23 = tpu.matmul %get3A_18, %get3A_21, %dot_general3A_22 {dimension_numbers = #tpu.dot_dimension_numbers<[0], [0], [1], [1], [0, 1, 1, 1], [], []>, transpose_lhs_hint = false} : vector<64x2560xf32>, vector<64x128xf32>, vector<2560x128xf32> -> vector<2560x128xf32>
    %add3A_24 = arith.addf %add3A_15, %dot_general3A_23 : vector<2560x128xf32>
    %get3A_25 = arith.constant 0 : index
    %get3A_26 = arith.constant 0 : index
    %get3A_27 = vector.load %arg4[%get3A_25, %get3A_26] : memref<64x2560xf32, #tpu.memory_space<vmem>>, vector<64x2560xf32>
    %get3A_28 = arith.constant 192 : index
    %get3A_29 = arith.constant 0 : index
    %get3A_30 = vector.load %arg9[%get3A_28, %get3A_29] : memref<512x128xf32, #tpu.memory_space<vmem>>, vector<64x128xf32>
    %dot_general3A_31 = arith.constant dense<0.000000e+00> : vector<2560x128xf32>
    %dot_general3A_32 = tpu.matmul %get3A_27, %get3A_30, %dot_general3A_31 {dimension_numbers = #tpu.dot_dimension_numbers<[0], [0], [1], [1], [0, 1, 1, 1], [], []>, transpose_lhs_hint = false} : vector<64x2560xf32>, vector<64x128xf32>, vector<2560x128xf32> -> vector<2560x128xf32>
    %add3A_33 = arith.addf %add3A_24, %dot_general3A_32 : vector<2560x128xf32>
    %get3A_34 = arith.constant 0 : index
    %get3A_35 = arith.constant 0 : index
    %get3A_36 = vector.load %arg5[%get3A_34, %get3A_35] : memref<64x2560xf32, #tpu.memory_space<vmem>>, vector<64x2560xf32>
    %get3A_37 = arith.constant 256 : index
    %get3A_38 = arith.constant 0 : index
    %get3A_39 = vector.load %arg9[%get3A_37, %get3A_38] : memref<512x128xf32, #tpu.memory_space<vmem>>, vector<64x128xf32>
    %dot_general3A_40 = arith.constant dense<0.000000e+00> : vector<2560x128xf32>
    %dot_general3A_41 = tpu.matmul %get3A_36, %get3A_39, %dot_general3A_40 {dimension_numbers = #tpu.dot_dimension_numbers<[0], [0], [1], [1], [0, 1, 1, 1], [], []>, transpose_lhs_hint = false} : vector<64x2560xf32>, vector<64x128xf32>, vector<2560x128xf32> -> vector<2560x128xf32>
    %add3A_42 = arith.addf %add3A_33, %dot_general3A_41 : vector<2560x128xf32>
    %get3A_43 = arith.constant 0 : index
    %get3A_44 = arith.constant 0 : index
    %get3A_45 = vector.load %arg6[%get3A_43, %get3A_44] : memref<64x2560xf32, #tpu.memory_space<vmem>>, vector<64x2560xf32>
    %get3A_46 = arith.constant 320 : index
    %get3A_47 = arith.constant 0 : index
    %get3A_48 = vector.load %arg9[%get3A_46, %get3A_47] : memref<512x128xf32, #tpu.memory_space<vmem>>, vector<64x128xf32>
    %dot_general3A_49 = arith.constant dense<0.000000e+00> : vector<2560x128xf32>
    %dot_general3A_50 = tpu.matmul %get3A_45, %get3A_48, %dot_general3A_49 {dimension_numbers = #tpu.dot_dimension_numbers<[0], [0], [1], [1], [0, 1, 1, 1], [], []>, transpose_lhs_hint = false} : vector<64x2560xf32>, vector<64x128xf32>, vector<2560x128xf32> -> vector<2560x128xf32>
    %add3A_51 = arith.addf %add3A_42, %dot_general3A_50 : vector<2560x128xf32>
    %get3A_52 = arith.constant 0 : index
    %get3A_53 = arith.constant 0 : index
    %get3A_54 = vector.load %arg7[%get3A_52, %get3A_53] : memref<64x2560xf32, #tpu.memory_space<vmem>>, vector<64x2560xf32>
    %get3A_55 = arith.constant 384 : index
    %get3A_56 = arith.constant 0 : index
    %get3A_57 = vector.load %arg9[%get3A_55, %get3A_56] : memref<512x128xf32, #tpu.memory_space<vmem>>, vector<64x128xf32>
    %dot_general3A_58 = arith.constant dense<0.000000e+00> : vector<2560x128xf32>
    %dot_general3A_59 = tpu.matmul %get3A_54, %get3A_57, %dot_general3A_58 {dimension_numbers = #tpu.dot_dimension_numbers<[0], [0], [1], [1], [0, 1, 1, 1], [], []>, transpose_lhs_hint = false} : vector<64x2560xf32>, vector<64x128xf32>, vector<2560x128xf32> -> vector<2560x128xf32>
    %add3A_60 = arith.addf %add3A_51, %dot_general3A_59 : vector<2560x128xf32>
    %get3A_61 = arith.constant 0 : index
    %get3A_62 = arith.constant 0 : index
    %get3A_63 = vector.load %arg8[%get3A_61, %get3A_62] : memref<64x2560xf32, #tpu.memory_space<vmem>>, vector<64x2560xf32>
    %get3A_64 = arith.constant 448 : index
    %get3A_65 = arith.constant 0 : index
    %get3A_66 = vector.load %arg9[%get3A_64, %get3A_65] : memref<512x128xf32, #tpu.memory_space<vmem>>, vector<64x128xf32>
    %dot_general3A_67 = arith.constant dense<0.000000e+00> : vector<2560x128xf32>
    %dot_general3A_68 = tpu.matmul %get3A_63, %get3A_66, %dot_general3A_67 {dimension_numbers = #tpu.dot_dimension_numbers<[0], [0], [1], [1], [0, 1, 1, 1], [], []>, transpose_lhs_hint = false} : vector<64x2560xf32>, vector<64x128xf32>, vector<2560x128xf32> -> vector<2560x128xf32>
    %add3A_69 = arith.addf %add3A_60, %dot_general3A_68 : vector<2560x128xf32>
    %mul3A = arith.constant 5.000000e-03 : f32
    %mul3A_70 = vector.broadcast %mul3A : f32 to vector<2560x128xf32>
    %mul3A_71 = arith.mulf %add3A_69, %mul3A_70 : vector<2560x128xf32>
    %swap3A = arith.constant 0 : index
    %swap3A_72 = arith.constant 0 : index
    %swap3A_73 = vector.load %arg10[%swap3A, %swap3A_72] : memref<2560x128xf32, #tpu.memory_space<vmem>>, vector<2560x128xf32>
    tpu.vector_store %arg10[%swap3A, %swap3A_72], %mul3A_71 {strides = array<i32>} : memref<2560x128xf32, #tpu.memory_space<vmem>>, vector<2560x128xf32>,
    return
  }
  func.func @transform_0(%arg0: i32) -> (i32, i32) {
    %add3A = arith.constant 0 : i32
    %add3A_0 = arith.addi %add3A, %arg0 : i32
    %min3A = arith.constant 39 : i32
    %min3A_1 = arith.minsi %add3A_0, %min3A : i32
    %c0_i32 = arith.constant 0 : i32
    %c0_i32_2 = arith.constant 0 : i32
    return %c0_i32, %min3A_1 : i32, i32
  }
  func.func @transform_1(%arg0: i32) -> (i32, i32) {
    %add3A = arith.constant 5 : i32
    %add3A_0 = arith.addi %add3A, %arg0 : i32
    %min3A = arith.constant 39 : i32
    %min3A_1 = arith.minsi %add3A_0, %min3A : i32
    %c0_i32 = arith.constant 0 : i32
    %c0_i32_2 = arith.constant 0 : i32
    return %c0_i32, %min3A_1 : i32, i32
  }
  func.func @transform_2(%arg0: i32) -> (i32, i32) {
    %add3A = arith.constant 10 : i32
    %add3A_0 = arith.addi %add3A, %arg0 : i32
    %min3A = arith.constant 39 : i32
    %min3A_1 = arith.minsi %add3A_0, %min3A : i32
    %c0_i32 = arith.constant 0 : i32
    %c0_i32_2 = arith.constant 0 : i32
    return %c0_i32, %min3A_1 : i32, i32
  }
  func.func @transform_3(%arg0: i32) -> (i32, i32) {
    %add3A = arith.constant 15 : i32
    %add3A_0 = arith.addi %add3A, %arg0 : i32
    %min3A = arith.constant 39 : i32
    %min3A_1 = arith.minsi %add3A_0, %min3A : i32
    %c0_i32 = arith.constant 0 : i32
    %c0_i32_2 = arith.constant 0 : i32
    return %c0_i32, %min3A_1 : i32, i32
  }
  func.func @transform_4(%arg0: i32) -> (i32, i32) {
    %add3A = arith.constant 20 : i32
    %add3A_0 = arith.addi %add3A, %arg0 : i32
    %min3A = arith.constant 39 : i32
    %min3A_1 = arith.minsi %add3A_0, %min3A : i32
    %c0_i32 = arith.constant 0 : i32
    %c0_i32_2 = arith.constant 0 : i32
    return %c0_i32, %min3A_1 : i32, i32
  }
  func.func @transform_5(%arg0: i32) -> (i32, i32) {
    %add3A = arith.constant 25 : i32
    %add3A_0 = arith.addi %add3A, %arg0 : i32
    %min3A = arith.constant 39 : i32
    %min3A_1 = arith.minsi %add3A_0, %min3A : i32
    %c0_i32 = arith.constant 0 : i32
    %c0_i32_2 = arith.constant 0 : i32
    return %c0_i32, %min3A_1 : i32, i32
  }
  func.func @transform_6(%arg0: i32) -> (i32, i32) {
    %add3A = arith.constant 30 : i32
    %add3A_0 = arith.addi %add3A, %arg0 : i32
    %min3A = arith.constant 39 : i32
    %min3A_1 = arith.minsi %add3A_0, %min3A : i32
    %c0_i32 = arith.constant 0 : i32
    %c0_i32_2 = arith.constant 0 : i32
    return %c0_i32, %min3A_1 : i32, i32
  }
  func.func @transform_7(%arg0: i32) -> (i32, i32) {
    %add3A = arith.constant 35 : i32
    %add3A_0 = arith.addi %add3A, %arg0 : i32
    %min3A = arith.constant 39 : i32
    %min3A_1 = arith.minsi %add3A_0, %min3A : i32
    %c0_i32 = arith.constant 0 : i32
    %c0_i32_2 = arith.constant 0 : i32
    return %c0_i32, %min3A_1 : i32, i32
  }
  func.func @transform_8(%arg0: i32) -> (i32, i32) {
    %c0_i32 = arith.constant 0 : i32
    %c0_i32_0 = arith.constant 0 : i32
    %c0_i32_1 = arith.constant 0 : i32
    return %c0_i32, %c0_i32_0 : i32, i32
  }
  func.func @transform_9(%arg0: i32) -> (i32, i32) {
    %c0_i32 = arith.constant 0 : i32
    %c0_i32_0 = arith.constant 0 : i32
    return %arg0, %c0_i32 : i32, i32
  }
}

</mosaic_0001>

<sc_bundles>
// kernel: kernel.4.cloned.1.call-start
scs
__scs_entry_jumppad:
0x0: {  	(pc) =	sbr.rel $0x88, $3  }
0x1: {  	(tag) =	ssettag $0x0;
	lr =	simm.s32 $0x1  }
0x2: {  	[smem:$0x3F9D] =	sst lr;
	_ =	strace $0xD0000000  }
0x3: {  	_ = 	snop  }
0x4: {  	_ = 	snop  }
0x5: {  	_ = 	snop  }
0x6: {  	_ = 	snop  }
0x7: {  	_ = 	snop  }
__scs_overlays_trampoline_lowered:
0x8: {  	[smem:$0x3FAC] =	sst s0  }
0x9: {  	[smem:$0x3FAD] =	sst s1  }
0xa: {  	[smem:$0x3FAE] =	sst s2  }
0xb: {  	[smem:$0x3FAF] =	sst s3  }
0xc: {  	[smem:$0x3FB0] =	sst s4  }
0xd: {  	[smem:$0x3FB1] =	sst s5  }
0xe: {  	[smem:$0x3FB2] =	sst s6  }
0xf: {  	[smem:$0x3FB3] =	sst s7  }
0x10: {  	[smem:$0x3FB4] =	sst s8  }
0x11: {  	[smem:$0x3FB5] =	sst s9;
	s0 =	simm.s32 @!p0 $0x0  }
0x12: {  	s1 =	sld [smem:$0x3F9B];
	s0 =	simm.s32 @p0 $0x1  }
0x13: {  	[smem:$0x3FB6] =	sst s0;
	s0 =	simm.s32 @!p1 $0x0  }
0x14: {  	s2 =	sld [smem:$0x3F9A];
	s0 =	simm.s32 @p1 $0x1  }
0x15: {  	[smem:$0x3FB7] =	sst s0;
	s0 =	simm.s32 @!p2 $0x0  }
0x16: {  	s3 =	sld [smem:$0x3FDB];
	s0 =	simm.s32 @p2 $0x1  }
0x17: {  	s4 =	simm.s32 $0x1BF5;
	[smem:$0x3FB9] =	sst s0  }
0x18: {  	s0 =	sld [smem:$0x3F9C];
	_ =	swait.ge [sflag:s4], $0x0  }
0x19: {  	s7 =	sld [smem:$0x3F9D]  }
0x1a: {  	s8 =	sadd.s32 $0xFFFFE003, lr  }
0x1b: {  	s9 =	sadd.s32 $0xFFFFFEF7, lr;
	s5 =	simm.s32 $0xFFFFFFFF;
	p2 =	slt.u32 s8, $0xFFFFF086  }
0x1c: {  	p1 =	slt.u32 s9, $0xF7A;
	s5 =	simm.s32 @!p2 $0x0  }
0x1d: {  	s5 =	simm.s32 @p1 $0x1;
	p0 =	seq.s32 s7, s2  }
0x1e: {  	s7 =	smul.u32 @!p0 $0xF7A, s2;
	p2 =	seq.s32 @!p0 s5, $0x0  }
0x1f: {  	s9 =	smul.u32 $0xF7A, s1;
	s8 =	simm.s32 @!p0 $0x1BF5;
	p2 =	por !p2, p0  }
0x20: {  	[sflag:s8] =	ssyncset.s32 @!p0 $0xFFFFF086;
	s6 =	sadd.s32 @!p0 s3, s7;
	s7 =	simm.s32 @!p0 $0x108  }
0x21: {  	s3 =	sadd.s32 s3, s9;
	s6 =	sadd.s32 @!p0 $0x88, s6;
	s7 =	simm.s32 @p2 $0x1082  }
0x22: {  	[simem:s7], [sflag:s8] =	dma.local @!p0 [hbm:s6], $0xF7A  }
0x23: {  	s9 =	sor.u32 $0xD0000000, s2;
	s6 =	simm.s32 $0x108;
	_ =	swait.ge @!p0 [sflag:s8], $0x0  }
0x24: {  	s3 =	sadd.s32 $0x88, s3;
	s6 =	simm.s32 @!p1 $0x1082;
	[sflag:s4] =	ssyncset.s32 $0xFFFFF086  }
0x25: {  	[simem:s6], [sflag:s4] =	dma.local [hbm:s3], $0xF7A  }
0x26: {  	[smem:$0x3F9D] =	sst s1;
	(tag) =	ssettag s2;
	_ =	strace s9  }
0x27: {  	s1 =	sld [smem:$0x3FAD]  }
0x28: {  	s2 =	sld [smem:$0x3FAE]  }
0x29: {  	s4 =	sld [smem:$0x3FB0]  }
0x2a: {  	p0 =	seq.s32 s5, $0x0;
	s5 =	sld [smem:$0x3FB1]  }
0x2b: {  	s6 =	sld [smem:$0x3FB2]  }
0x2c: {  	s7 =	sld [smem:$0x3FB3]  }
0x2d: {  	s3 =	simm.s32 $0x108;
	s8 =	sld [smem:$0x3FB4]  }
0x2e: {  	s3 =	simm.s32 @!p0 $0x1082;
	s9 =	sld [smem:$0x3FB5]  }
0x2f: {  	lr =	sadd.s32 s0, s3;
	s0 =	sld [smem:$0x3FAC]  }
0x30: {  	s3 =	sld [smem:$0x3FAF]  }
0x31: {  	[smem:$0x3FB8] =	sst s10  }
0x32: {  	s10 =	sld [smem:$0x3FB6];
	_ =	sdelay $0x3  }
0x33: {  	p0 =	seq.s32 s10, $0x1;
	s10 =	sld [smem:$0x3FB8];
	_ =	sdelay $0x3  }
0x34: {  	[smem:$0x3FB8] =	sst s10  }
0x35: {  	s10 =	sld [smem:$0x3FB7];
	_ =	sdelay $0x3  }
0x36: {  	p1 =	seq.s32 s10, $0x1;
	s10 =	sld [smem:$0x3FB8];
	_ =	sdelay $0x3  }
0x37: {  	[smem:$0x3FB8] =	sst s10  }
0x38: {  	s10 =	sld [smem:$0x3FB9]  }
0x39: {  	_ = 	snop;
	(pc) =	sbr.ind lr, $3  }
0x3a: {  	_ = 	snop  }
0x3b: {  	_ = 	snop  }
0x3c: {  	p2 =	seq.s32 s10, $0x1;
	s10 =	sld [smem:$0x3FB8]  }
0x3d: {  	_ =	shalt  }
0x3e: {  	_ =	shalt  }
0x3f: {  	_ =	shalt  }
0x40: {  	_ =	shalt  }
0x41: {  	_ =	shalt  }
0x42: {  	_ =	shalt  }
0x43: {  	_ =	shalt  }
0x44: {  	_ =	shalt  }
0x45: {  	_ =	shalt  }
0x46: {  	_ =	shalt  }
0x47: {  	_ =	shalt  }
0x48: {  	_ =	shalt  }
0x49: {  	_ =	shalt  }
0x4a: {  	_ =	shalt  }
0x4b: {  	_ =	shalt  }
0x4c: {  	_ =	shalt  }
0x4d: {  	_ =	shalt  }
0x4e: {  	_ =	shalt  }
0x4f: {  	_ =	shalt  }
0x50: {  	_ =	shalt  }
0x51: {  	_ =	shalt  }
0x52: {  	_ =	shalt  }
0x53: {  	_ =	shalt  }
0x54: {  	_ =	shalt  }
0x55: {  	_ =	shalt  }
0x56: {  	_ =	shalt  }
0x57: {  	_ =	shalt  }
0x58: {  	_ =	shalt  }
0x59: {  	_ =	shalt  }
0x5a: {  	_ =	shalt  }
0x5b: {  	_ =	shalt  }
0x5c: {  	_ =	shalt  }
0x5d: {  	_ =	shalt  }
0x5e: {  	_ =	shalt  }
0x5f: {  	_ =	shalt  }
0x60: {  	_ =	shalt  }
0x61: {  	_ =	shalt  }
0x62: {  	_ =	shalt  }
0x63: {  	_ =	shalt  }
0x64: {  	_ =	shalt  }
0x65: {  	_ =	shalt  }
0x66: {  	_ =	shalt  }
0x67: {  	_ =	shalt  }
0x68: {  	_ =	shalt  }
0x69: {  	_ =	shalt  }
0x6a: {  	_ =	shalt  }
0x6b: {  	_ =	shalt  }
0x6c: {  	_ =	shalt  }
0x6d: {  	_ =	shalt  }
0x6e: {  	_ =	shalt  }
0x6f: {  	_ =	shalt  }
0x70: {  	_ =	shalt  }
0x71: {  	_ =	shalt  }
0x72: {  	_ =	shalt  }
0x73: {  	_ =	shalt  }
0x74: {  	_ =	shalt  }
0x75: {  	_ =	shalt  }
0x76: {  	_ =	shalt  }
0x77: {  	_ =	shalt  }
0x78: {  	_ =	shalt  }
0x79: {  	_ =	shalt  }
0x7a: {  	_ =	shalt  }
0x7b: {  	_ =	shalt  }
0x7c: {  	_ =	shalt  }
0x7d: {  	_ =	shalt  }
0x7e: {  	_ =	shalt  }
0x7f: {  	_ =	shalt  }
0x80: {  	_ =	shalt  }
0x81: {  	_ =	shalt  }
0x82: {  	_ =	shalt  }
0x83: {  	_ =	shalt  }
0x84: {  	_ =	shalt  }
0x85: {  	_ =	shalt  }
0x86: {  	_ =	shalt  }
0x87: {  	_ =	shalt  }
.Lfunc_end0:
.L_simem_size_0:
called_computation_lowered:
.L_overlay_start_0:
0x88: {  	s2 =	sld [smem:$0x3FD9]  }
0x89: {  	s3 =	sld [smem:$0x3FFE];
	_ =	sdelay $0x1  }
0x8a: {  	s1 =	srdreg.scid  }
0x8b: {  	s0 =	sand.u32 $0x1, s1  }
0x8c: {  	s17 =	sshll.u32 s0, $0xA;
	s2 =	sadd.s32 s3, s2  }
0x8d: {  	s2 =	sadd.s32 s2, s17  }
0x8e: {  	[smem:$0x3FC4] =	sst s2  }
0x8f: {  	_ = 	snop  }
0x90: {  	s2 =	sld [smem:$0x3FC9]  }
0x91: {  	s18 =	sld [smem:$0x3FD0];
	(tm) =	ssettm $0x1  }
0x92: {  	s4 =	sld [smem:$0x3FFB];
	_ =	sdelay $0x3  }
0x93: {  	_ =	strace s4  }
0x94: {  	s4 =	sld [smem:$0x3FFC];
	_ =	sdelay $0x3  }
0x95: {  	_ =	strace s4  }
0x96: {  	s4 =	sld [smem:$0x3FFD];
	_ =	sdelay $0x3  }
0x97: {  	_ =	strace s4  }
0x98: {  	_ =	strace $0x8FFFFFFF  }
0x99: {  	s19 =	sld [smem:$0x3FDB];
	_ =	sdelay $0x1  }
0x9a: {  	s5 =	simm.s32 $_scs_section_size  }
0x9b: {  	s6 =	simm.s32 $_size__tile_overlayer_lowered;
	s7 =	simm.s32 $_tile_overlayer_lowered  }
0x9c: {  	s22 =	simm.s32 $0x1BFF;
	s21 =	sshll.u32 s7, $0x1;
	s4 =	sadd.s32 s5, s19  }
0x9d: {  	s8 =	simm.s32 $0x0;
	s20 =	sshll.u32 s6, $0x1;
	s6 =	sadd.s32 s21, s4  }
0x9e: {  	[timem:s8], [sflag:s22] =	dma.local [hbm:s6], s20  }
0x9f: {  	_ =	swait.ge [sflag:s22], s20  }
0xa0: {  	s5 =	ssub.s32 $0x0, s20;
	[sflag:s22] =	ssyncset.done $0x0  }
0xa1: {  	[sflag:s22] =	ssyncadd.s32 s5;
	_ =	sdelay $0x1  }
0xa2: {  	s23 =	simm.s32 $0x1B8B  }
0xa3: {  	_ =	swait.ge [sflag:s23], $0x1  }
0xa4: {  	[sflag:s23] =	ssyncset.done $0x0  }
0xa5: {  	s25 =	simm.s32 $0x1B8E;
	s24 =	sld [smem:$0x3FFE];
	[sflag:s23] =	ssyncadd.s32 $0xFFFFFFFF  }
0xa6: {  	s26 =	simm.s32 $execute0_lowered;
	[smem:$0x3FD2] =	sst s25  }
0xa7: {  	s6 =	sshll.u32 s26, $0x1;
	_ =	strace $0x80000046;
	[dreg:$0x1] =	wrdreg $0xFFFFFFFF  }
0xa8: {  	s28 =	simm.s32 $_size_execute0_lowered;
	s4 =	sadd.s32 s4, s6;
	[dreg:$0x0] =	wrdreg $0x0  }
0xa9: {  	s6 =	sshll.u32 s28, $0x1;
	[dreg:$0x2] =	wrdreg s4  }
0xaa: {  	[dreg:$0x3] =	wrdreg s6  }
0xab: {  	[dreg:$0x4] =	wrdreg $0xC0  }
0xac: {  	_ =	task [dreg:s8], $0x5FFFF  }
0xad: {  	[dreg:$0x1] =	wrdreg $0xFFFFFFFF  }
0xae: {  	[dreg:$0x0] =	wrdreg $0x60  }
0xaf: {  	[dreg:$0x2] =	wrdreg s2  }
0xb0: {  	[dreg:$0x3] =	wrdreg s18  }
0xb1: {  	[dreg:$0x4] =	wrdreg s24  }
0xb2: {  	[dreg:$0x5] =	wrdreg $0x9  }
0xb3: {  	_ =	task.clear_ibuf [dreg:s8], $0x6FFFF;
	_ =	strace $0x90000046  }
0xb4: {  	s29 =	simm.s32 $0x9;
	_ =	strace $0x80000048  }
0xb5: {  	_ =	swait.ge [sflag:s29], $0x1  }
0xb6: {  	[sflag:s29] =	ssyncadd.s32 $0xFFFFFFFF  }
0xb7: {  	_ =	strace $0x90000048  }
0xb8: {  	_ =	sfence  }
0xb9: {  	s30 =	sld [smem:$0x0];
	_ =	sdelay $0x2  }
0xba: {  	s31 =	sshll.u32 s1, $0xD;
	s1 =	sshrl.u32 s1, $0x2  }
0xbb: {  	s3 =	sand.u32 $0x4000, s31;
	s1 =	sadd.s32 s1, s30  }
0xbc: {  	s0 =	sor.u32 s3, s0;
	s1 =	sshll.u32 s1, $0x11  }
0xbd: {  	s0 =	sor.u32 s1, s0  }
0xbe: {  	s0 =	sadd.s32 $0x8F2B, s0  }
0xbf: {  	[sflag:s0] =	ssyncadd.remote.s32 $0x1  }
0xc0: {  	_ =	sfence.sel $0xFFFF  }
0xc1: {  	[dreg:$0x0] =	wrdreg $0xFFFFFFFF;
	(pc) =	sbr.abs _section_cstart, $3  }
0xc2: {  	[dreg:$0x1] =	wrdreg $0xFFFFFFFF  }
0xc3: {  	_ =	task.clear_ibuf [dreg:s8], $0x2FFFF;
	_ =	strace $0x9FFFFFFF  }
0xc4: {  	(tm) =	ssettm $0x7FFFFFFF  }
0xc5: {  	_ =	shalt  }
tec
execute0_lowered:
.L_overlay_start_1:
0x0: {  	(tag) =	ssettag $0x1  }
0x1: {  	s0 =	rddreg [dreg:$0x0]  }
0x2: {  	s1 =	rddreg [dreg:$0x2];
	s3 =	simm.s32 $0x0  }
0x3: {  	s2 =	srdreg.scid;
	s4 =	stileid.u32;
	s10 =	simm.s32 $0x3  }
0x4: {  	s12 =	simm.s32 $0x6400;
	s13 =	simm.s32 $0x80;
	s14 =	simm.s32 $0x40  }
0x5: {  	s8 =	simm.s32 $0x16C00;
	s9 =	simm.s32 $0x6EC0;
	s11 =	simm.s32 $0x17400  }
0x6: {  	s15 =	simm.s32 $0x6F40;
	s16 =	simm.s32 $0x17C00;
	s17 =	simm.s32 $0x6FC0  }
0x7: {  	s18 =	simm.s32 $0x18400;
	s19 =	simm.s32 $0x7040;
	s20 =	simm.s32 $0x18C00  }
0x8: {  	s21 =	simm.s32 $0x1;
	s22 =	simm.s32 $0x19000;
	s23 =	simm.s32 $0x2  }
0x9: {  	v1 =	vlaneseq.u32;
	s24 =	simm.s32 $0x1000;
	s25 =	simm.s32 $0x0;
	[smem:$0x7FF] =	sst s3  }
0xa: {  	s2 =	sand.u32 $0x1, s2;
	s4 =	sshll.u32 s4, $0x1;
	v0 =	vmul.u32 $0x80, v1;
	_ =	strace $0x80000047  }
0xb: {  	s5 =	sor.u32 s2, s4;
	s2 =	ssub.s32 $0x2, s2;
	s4 =	sadd.s32 $0x200, s1  }
0xc: {  	v1 =	vmul.u32 $0xC8, v1;
	s6 =	sshll.u32 s5, $0x4;
	s7 =	sshrl.u32 s2, $0x1;
	s5 =	sshll.u32 s5, $0x7;
	v2 =	vor.u32 $0x1, v0  }
0xd: {  	v3 =	vor.u32 $0x2, v0;
	v4 =	vor.u32 $0x3, v0;
	v5 =	vor.u32 $0x4, v0;
	s1 =	sadd.s32 s6, s1;
	s2 =	ssub.s32 s2, s7;
	s5 =	sadd.s32 s0, s5  }
0xe: {  	v6 =	vor.u32 $0x5, v0;
	v7 =	vor.u32 $0x6, v0;
	v8 =	vor.u32 $0x7, v0;
	s6 =	sadd.s32 $0x32200, s1;
	s7 =	smax.u32 s2, $0x1;
	s1 =	simm.s32 $0x6E40  }
.LBB2_1:
0xf: {  	s0 =	simm.s32 $0x400;
	s2 =	simm.s32 $0x8000  }
0x10: {  	[tilespmem:s3], [sflag:$0x3] =	stream.strided.gather [hbm4b:s5+s0], $0x6400, s2, s0, $0x38;
	[tilespmem:$0x19810] =	vst v63  }
0x11: {  	_ =	swait.ge [sflag:s10], $0x6400  }
0x12: {  	[sflag:s10] =	ssyncset.done $0x0  }
0x13: {  	[sflag:s10] =	ssyncadd.s32 $0xFFFF9C00  }
0x14: {  	s31 =	simm.s32 $0x19800;
	s30 =	rddreg [dreg:$0x1]  }
0x15: {  	[tilespmem:s31], [sflag:$0x3] =	stream.linear.gather [hbm4b:s30+s3], $0x10, $0x38;
	[tilespmem:$0x19810] =	vst v63  }
0x16: {  	_ =	swait.ge [sflag:s10], $0x10  }
0x17: {  	[sflag:s10] =	ssyncset.done $0x0  }
0x18: {  	s29 =	sand.u32 $0x7F80, s3;
	[sflag:s10] =	ssyncadd.s32 $0xFFFFFFF0  }
0x19: {  	s26 =	simm.s32 $0x1;
	s28 =	simm.s32 $0x0;
	s0 =	simm.s32 $0x0;
	v9 =	vld [tilespmem:$0x19800]  }
.LBB2_2:
0x1a: {  	p0 =	sne.s32 s26, $0xC7;
	v10 =	vld [tilespmem:s29+$0x0];
	_ =	sdelay $0x4  }
0x1b: {  	v11 =	vshrl.u32 v10, $0x9  }
0x1c: {  	v11 =	vmul.u32 $0x51F, v11;
	_ =	sdelay $0x1  }
0x1d: {  	v11 =	vshrl.u32 v11, $0xF  }
0x1e: {  	v13 =	vadd.s32 s0, v1;
	s0 =	smov.u32 s26;
	v12 =	vmul.u32 $0x1FFFCE00, v11  }
.Ltmp0:
0x1f: {  	(pc) =	sbr.rel @p0 .LBB2_2-.Ltmp0, $4  }
0x20: {  	v10 =	vadd.s32 v10, v12  }
0x21: {  	v10 =	vshll.u32 v10, $0x3  }
0x22: {  	s28 =	sadd.s32 $0x80, s28;
	v10 =	vor.u32 v11, v10  }
0x23: {  	s26 =	sadd.s32 $0x1, s26;
	s29 =	sand.u32 $0x7F80, s28;
	[tilespmem:v13+s12+$0x0] =	vst.idx.msk $0xffff, v10  }
0x24: {  	v10 =	vld [tilespmem:s29+$0x0];
	_ =	sdelay $0x4  }
0x25: {  	v11 =	vshrl.u32 v10, $0x9  }
0x26: {  	v11 =	vmul.u32 $0x51F, v11;
	_ =	sdelay $0x1  }
0x27: {  	v11 =	vshrl.u32 v11, $0xF  }
0x28: {  	v13 =	vadd.s32 s0, v1;
	v12 =	vmul.u32 $0x1FFFCE00, v11;
	_ =	sdelay $0x1  }
0x29: {  	v10 =	vadd.s32 v10, v12  }
0x2a: {  	v10 =	vshll.u32 v10, $0x3  }
0x2b: {  	v10 =	vor.u32 v11, v10  }
0x2c: {  	s26 =	simm.s32 $0xC800;
	[tilespmem:v13+s12+$0x0] =	vst.idx.msk $0xffff, v10  }
0x2d: {  	[tilespmem:s26], [sflag:$0x1] =	stream.indirect.gather [hbm4b:s4+s13], $0x10, s12, s13, $0xb8;
	[tilespmem:$0x19810] =	vst v63  }
0x2e: {  	s28 =	simm.s32 $0x6480;
	s2 =	simm.s32 $0xD000  }
0x2f: {  	[tilespmem:s2], [sflag:$0x1] =	stream.indirect.gather [hbm4b:s4+s13], $0x10, s28, s13, $0xb8;
	[tilespmem:$0x19810] =	vst v63  }
0x30: {  	s30 =	simm.s32 $0x6500;
	s31 =	simm.s32 $0xD800  }
0x31: {  	[tilespmem:s31], [sflag:$0x1] =	stream.indirect.gather [hbm4b:s4+s13], $0x10, s30, s13, $0xb8;
	[tilespmem:$0x19810] =	vst v63  }
0x32: {  	s26 =	simm.s32 $0x6580;
	s28 =	simm.s32 $0xE000  }
0x33: {  	[tilespmem:s28], [sflag:$0x1] =	stream.indirect.gather [hbm4b:s4+s13], $0x10, s26, s13, $0xb8;
	[tilespmem:$0x19810] =	vst v63  }
0x34: {  	s30 =	simm.s32 $0x6600;
	s31 =	simm.s32 $0xE800  }
0x35: {  	[tilespmem:s31], [sflag:$0x1] =	stream.indirect.gather [hbm4b:s4+s13], $0x10, s30, s13, $0xb8;
	[tilespmem:$0x19810] =	vst v63  }
0x36: {  	s26 =	simm.s32 $0x6680;
	s28 =	simm.s32 $0xF000  }
0x37: {  	[tilespmem:s28], [sflag:$0x1] =	stream.indirect.gather [hbm4b:s4+s13], $0x10, s26, s13, $0xb8;
	[tilespmem:$0x19810] =	vst v63  }
0x38: {  	s30 =	simm.s32 $0x6700;
	s31 =	simm.s32 $0xF800  }
0x39: {  	[tilespmem:s31], [sflag:$0x1] =	stream.indirect.gather [hbm4b:s4+s13], $0x10, s30, s13, $0xb8;
	[tilespmem:$0x19810] =	vst v63  }
0x3a: {  	s26 =	simm.s32 $0x6780;
	s28 =	simm.s32 $0x10000  }
0x3b: {  	[tilespmem:s28], [sflag:$0x1] =	stream.indirect.gather [hbm4b:s4+s13], $0x10, s26, s13, $0xb8;
	[tilespmem:$0x19810] =	vst v63  }
0x3c: {  	s30 =	simm.s32 $0x6800;
	s31 =	simm.s32 $0x10800  }
0x3d: {  	[tilespmem:s31], [sflag:$0x1] =	stream.indirect.gather [hbm4b:s4+s13], $0x10, s30, s13, $0xb8;
	[tilespmem:$0x19810] =	vst v63  }
0x3e: {  	s26 =	simm.s32 $0x6880;
	s28 =	simm.s32 $0x11000  }
0x3f: {  	[tilespmem:s28], [sflag:$0x1] =	stream.indirect.gather [hbm4b:s4+s13], $0x10, s26, s13, $0xb8;
	[tilespmem:$0x19810] =	vst v63  }
0x40: {  	s30 =	simm.s32 $0x6900;
	s31 =	simm.s32 $0x11800  }
0x41: {  	[tilespmem:s31], [sflag:$0x1] =	stream.indirect.gather [hbm4b:s4+s13], $0x10, s30, s13, $0xb8;
	[tilespmem:$0x19810] =	vst v63  }
0x42: {  	s26 =	simm.s32 $0x6980;
	s28 =	simm.s32 $0x12000  }
0x43: {  	[tilespmem:s28], [sflag:$0x1] =	stream.indirect.gather [hbm4b:s4+s13], $0x10, s26, s13, $0xb8;
	[tilespmem:$0x19810] =	vst v63  }
0x44: {  	s30 =	simm.s32 $0x6A00;
	s31 =	simm.s32 $0x12800  }
0x45: {  	[tilespmem:s31], [sflag:$0x1] =	stream.indirect.gather [hbm4b:s4+s14], $0x10, s30, s14, $0xb8;
	[tilespmem:$0x19810] =	vst v63  }
0x46: {  	s26 =	simm.s32 $0x6A40;
	s28 =	simm.s32 $0x12C00  }
0x47: {  	[tilespmem:s28], [sflag:$0x2] =	stream.indirect.gather [hbm4b:s4+s13], $0x10, s26, s13, $0xb8;
	[tilespmem:$0x19810] =	vst v63  }
0x48: {  	s30 =	simm.s32 $0x6AC0;
	s31 =	simm.s32 $0x13400  }
0x49: {  	[tilespmem:s31], [sflag:$0x2] =	stream.indirect.gather [hbm4b:s4+s13], $0x10, s30, s13, $0xb8;
	[tilespmem:$0x19810] =	vst v63  }
0x4a: {  	s26 =	simm.s32 $0x6B40;
	s28 =	simm.s32 $0x13C00  }
0x4b: {  	[tilespmem:s28], [sflag:$0x2] =	stream.indirect.gather [hbm4b:s4+s13], $0x10, s26, s13, $0xb8;
	[tilespmem:$0x19810] =	vst v63  }
0x4c: {  	s30 =	simm.s32 $0x6BC0;
	s31 =	simm.s32 $0x14400  }
0x4d: {  	[tilespmem:s31], [sflag:$0x2] =	stream.indirect.gather [hbm4b:s4+s13], $0x10, s30, s13, $0xb8;
	[tilespmem:$0x19810] =	vst v63  }
0x4e: {  	s26 =	simm.s32 $0x6C40;
	s28 =	simm.s32 $0x14C00  }
0x4f: {  	[tilespmem:s28], [sflag:$0x2] =	stream.indirect.gather [hbm4b:s4+s13], $0x10, s26, s13, $0xb8;
	[tilespmem:$0x19810] =	vst v63  }
0x50: {  	s30 =	simm.s32 $0x6CC0;
	s31 =	simm.s32 $0x15400  }
0x51: {  	[tilespmem:s31], [sflag:$0x2] =	stream.indirect.gather [hbm4b:s4+s13], $0x10, s30, s13, $0xb8;
	[tilespmem:$0x19810] =	vst v63  }
0x52: {  	s26 =	simm.s32 $0x6D40;
	s28 =	simm.s32 $0x15C00  }
0x53: {  	[tilespmem:s28], [sflag:$0x2] =	stream.indirect.gather [hbm4b:s4+s13], $0x10, s26, s13, $0xb8;
	[tilespmem:$0x19810] =	vst v63  }
0x54: {  	s30 =	simm.s32 $0x6DC0;
	s31 =	simm.s32 $0x16400  }
0x55: {  	[tilespmem:s31], [sflag:$0x2] =	stream.indirect.gather [hbm4b:s4+s13], $0x10, s30, s13, $0xb8;
	[tilespmem:$0x19810] =	vst v63  }
0x56: {  	_ = 	snop  }
0x57: {  	[tilespmem:s8], [sflag:$0x2] =	stream.indirect.gather [hbm4b:s4+s13], $0x10, s1, s13, $0xb8;
	[tilespmem:$0x19810] =	vst v63  }
0x58: {  	_ = 	snop  }
0x59: {  	[tilespmem:s11], [sflag:$0x2] =	stream.indirect.gather [hbm4b:s4+s13], $0x10, s9, s13, $0xb8;
	[tilespmem:$0x19810] =	vst v63  }
0x5a: {  	_ = 	snop  }
0x5b: {  	[tilespmem:s16], [sflag:$0x2] =	stream.indirect.gather [hbm4b:s4+s13], $0x10, s15, s13, $0xb8;
	[tilespmem:$0x19810] =	vst v63  }
0x5c: {  	_ = 	snop  }
0x5d: {  	[tilespmem:s18], [sflag:$0x2] =	stream.indirect.gather [hbm4b:s4+s13], $0x10, s17, s13, $0xb8;
	[tilespmem:$0x19810] =	vst v63  }
0x5e: {  	s29 =	simm.s32 $0x0;
	s26 =	simm.s32 $0xC80  }
0x5f: {  	[tilespmem:s20], [sflag:$0x2] =	stream.indirect.gather [hbm4b:s4+s14], $0x10, s19, s14, $0xb8;
	[tilespmem:$0x19810] =	vst v63  }
.LBB2_4:
0x60: {  	p0 =	seq.s32 s29, $0x7  }
.Ltmp1:
0x61: {  	_ = 	snop;
	(pc) =	sbr.rel @p0 .LBB2_8-.Ltmp1, $2  }
0x62: {  	_ =	sdelay $0x2  }
0x63: {  	s28 =	sadd.s32 $0x1, s29  }
0x64: {  	s0 =	sshll.u32 s28, $0x6  }
0x65: {  	s0 =	sshrl.u32 s0, $0x2  }
0x66: {  	v10 =	vmov s0;
	_ =	sdelay $0x2  }
0x67: {  	s2 =	simm.s32 $0x0  }
0x68: {  	s0 =	sand.u32 $0x7F80, s2  }
0x69: {  	v11 =	vld.idx.msk [tilespmem:v10+s0+$0x0 ss:$0x1], $0xffff;
	_ =	sdelay $0x4  }
0x6a: {  	v12 =	vshrl.u32 v11, $0x9  }
0x6b: {  	v12 =	vmul.u32 $0x51F, v12;
	_ =	sdelay $0x1  }
0x6c: {  	v12 =	vshrl.u32 v12, $0xF  }
0x6d: {  	v14 =	vadd.s32 s26, v1;
	v13 =	vmul.u32 $0x1FFFCE00, v12;
	_ =	sdelay $0x1  }
0x6e: {  	v11 =	vadd.s32 v11, v13  }
0x6f: {  	v11 =	vshll.u32 v11, $0x3  }
0x70: {  	s2 =	simm.s32 $0x80;
	v11 =	vor.u32 v12, v11  }
0x71: {  	s30 =	simm.s32 $0x100;
	s31 =	sand.u32 $0x7F80, s2;
	s0 =	smov.u32 s26;
	[tilespmem:v14+s12+$0x0] =	vst.idx.msk $0xffff, v11  }
.LBB2_6:
0x72: {  	p1 =	sne.s32 s30, $0x6380;
	v11 =	vld.idx.msk [tilespmem:v10+s31+$0x0 ss:$0x1], $0xffff;
	_ =	sdelay $0x5  }
0x73: {  	v12 =	vshrl.u32 v11, $0x9  }
0x74: {  	v12 =	vmul.u32 $0x51F, v12;
	_ =	sdelay $0x1  }
0x75: {  	s0 =	sadd.s32 $0x1, s0;
	v12 =	vshrl.u32 v12, $0xF  }
0x76: {  	v14 =	vadd.s32 s0, v1;
	v13 =	vmul.u32 $0x1FFFCE00, v12  }
.Ltmp2:
0x77: {  	(pc) =	sbr.rel @p1 .LBB2_6-.Ltmp2, $4  }
0x78: {  	v11 =	vadd.s32 v11, v13  }
0x79: {  	v11 =	vshll.u32 v11, $0x3  }
0x7a: {  	v11 =	vor.u32 v12, v11  }
0x7b: {  	s31 =	sand.u32 $0x7F80, s30;
	s30 =	sadd.s32 $0x80, s30;
	[tilespmem:v14+s12+$0x0] =	vst.idx.msk $0xffff, v11  }
0x7c: {  	_ =	sdelay $0x3  }
0x7d: {  	v10 =	vld.idx.msk [tilespmem:v10+s31+$0x0 ss:$0x1], $0xffff;
	_ =	sdelay $0x4  }
0x7e: {  	v11 =	vshrl.u32 v10, $0x9  }
0x7f: {  	v11 =	vmul.u32 $0x51F, v11;
	_ =	sdelay $0x1  }
0x80: {  	s0 =	sadd.s32 $0x1, s0;
	v11 =	vshrl.u32 v11, $0xF  }
0x81: {  	v13 =	vadd.s32 s0, v1;
	v12 =	vmul.u32 $0x1FFFCE00, v11;
	_ =	sdelay $0x1  }
0x82: {  	v10 =	vadd.s32 v10, v12  }
0x83: {  	v10 =	vshll.u32 v10, $0x3  }
0x84: {  	v10 =	vor.u32 v11, v10  }
0x85: {  	[tilespmem:v13+s12+$0x0] =	vst.idx.msk $0xffff, v10  }
.LBB2_8:
0x86: {  	_ =	swait.ge [sflag:s21], $0x6400  }
0x87: {  	[sflag:s21] =	ssyncset.done $0x0  }
0x88: {  	s0 =	simm.s32 $0x0;
	[sflag:s21] =	ssyncadd.s32 $0xFFFF9C00  }
0x89: {  	v10 =	vld [tilespmem:s0+$0x11F80]  }
0x8a: {  	v11 =	vld [tilespmem:s0+$0x11F90]  }
0x8b: {  	v12 =	vld [tilespmem:s0+$0xC800]  }
0x8c: {  	v13 =	vld [tilespmem:s0+$0xC810]  }
0x8d: {  	v14 =	vld [tilespmem:s0+$0xD480]  }
0x8e: {  	v16 =	vld [tilespmem:s0+$0xD490]  }
0x8f: {  	v17 =	vld [tilespmem:s0+$0xE100]  }
0x90: {  	v19 =	vld [tilespmem:s0+$0xE110]  }
0x91: {  	v20 =	vld [tilespmem:s0+$0xED80]  }
0x92: {  	v22 =	vld [tilespmem:s0+$0xED90]  }
0x93: {  	v23 =	vld [tilespmem:s0+$0xFA00]  }
0x94: {  	v24 =	vld [tilespmem:s0+$0xFA10];
	_ =	sdelay $0x1  }
0x95: {  	v10 =	vadd.f32 v11, v10  }
0x96: {  	v18 =	vld [tilespmem:s0+$0x10680];
	v11 =	vadd.f32 v13, v12;
	v12 =	vadd.f32 v16, v14  }
0x97: {  	v15 =	vimm.f32 $0.0e+00;
	v21 =	vld [tilespmem:s0+$0x10690];
	v13 =	vadd.f32 v19, v17;
	v16 =	vadd.f32 v22, v20  }
0x98: {  	v19 =	vld [tilespmem:s0+$0x11300];
	v23 =	vadd.f32 v24, v23;
	v10 =	vadd.f32 v10, v15  }
0x99: {  	s31 =	simm.s32 $0x20;
	v22 =	vld [tilespmem:s0+$0x11310];
	v17 =	vimm.f32 $0.0e+00;
	v14 =	vadd.f32 v11, v15;
	v11 =	vadd.f32 v12, v15  }
0x9a: {  	s30 =	simm.s32 $0x100;
	v20 =	vld [tilespmem:s31+$0x11F80];
	v12 =	vadd.f32 v13, v15;
	v13 =	vadd.f32 v16, v15;
	v16 =	vimm.f32 $0.0e+00  }
.LBB2_9:
0x9b: {  	p1 =	sne.s32 s30, $0x3180;
	v24 =	vld [tilespmem:s31+$0x11F90]  }
0x9c: {  	v25 =	vld [tilespmem:s31+$0xC800];
	v15 =	vadd.f32 v23, v15;
	v18 =	vadd.f32 v21, v18  }
0x9d: {  	v21 =	vld [tilespmem:s31+$0xC810]  }
0x9e: {  	v23 =	vld [tilespmem:s31+$0xD480];
	v17 =	vadd.f32 v18, v17;
	v18 =	vadd.f32 v22, v19  }
0x9f: {  	v19 =	vld [tilespmem:s31+$0xD490]  }
0xa0: {  	v22 =	vld [tilespmem:s31+$0xE100];
	v20 =	vadd.f32 v24, v20;
	v16 =	vadd.f32 v18, v16  }
0xa1: {  	v18 =	vld [tilespmem:s31+$0xE110]  }
0xa2: {  	v21 =	vadd.f32 v21, v25;
	v24 =	vld [tilespmem:s31+$0xED80];
	v10 =	vadd.f32 v20, v10  }
0xa3: {  	v20 =	vld [tilespmem:s31+$0xED90]  }
0xa4: {  	v14 =	vadd.f32 v21, v14;
	v19 =	vadd.f32 v19, v23;
	v23 =	vld [tilespmem:s31+$0xFA00]  }
0xa5: {  	v25 =	vld [tilespmem:s31+$0xFA10]  }
.Ltmp3:
0xa6: {  	v11 =	vadd.f32 v19, v11;
	v19 =	vadd.f32 v18, v22;
	v18 =	vld [tilespmem:s31+$0x10680];
	(pc) =	sbr.rel @p1 .LBB2_9-.Ltmp3, $4  }
0xa7: {  	v21 =	vld [tilespmem:s31+$0x10690]  }
0xa8: {  	v12 =	vadd.f32 v19, v12;
	v24 =	vadd.f32 v20, v24;
	v19 =	vld [tilespmem:s31+$0x11300]  }
0xa9: {  	v22 =	vld [tilespmem:s31+$0x11310];
	s31 =	sshra.s32 s30, $0x2  }
0xaa: {  	s30 =	sadd.s32 $0x80, s30;
	v20 =	vld [tilespmem:s31+$0x11F80];
	v13 =	vadd.f32 v24, v13;
	v23 =	vadd.f32 v25, v23  }
0xab: {  	v24 =	vld [tilespmem:s31+$0x11F90]  }
0xac: {  	v25 =	vld [tilespmem:s31+$0xC800]  }
0xad: {  	v26 =	vld [tilespmem:s31+$0xC810]  }
0xae: {  	v27 =	vld [tilespmem:s31+$0xD480]  }
0xaf: {  	v28 =	vld [tilespmem:s31+$0xD490]  }
0xb0: {  	v29 =	vld [tilespmem:s31+$0xE100]  }
0xb1: {  	v30 =	vld [tilespmem:s31+$0xE110]  }
0xb2: {  	v31 =	vld [tilespmem:s31+$0xED80]  }
0xb3: {  	v32 =	vld [tilespmem:s31+$0xED90]  }
0xb4: {  	v33 =	vld [tilespmem:s31+$0xFA00]  }
0xb5: {  	v18 =	vadd.f32 v21, v18;
	v21 =	vld [tilespmem:s31+$0xFA10]  }
0xb6: {  	s30 =	sshll.u32 s29, $0x4;
	v59 =	vld [tilespmem:s31+$0x11300];
	v15 =	vadd.f32 v23, v15  }
0xb7: {  	v23 =	vld [tilespmem:s31+$0x10680];
	v17 =	vadd.f32 v18, v17;
	v18 =	vadd.f32 v22, v19;
	v22 =	vmov s30  }
0xb8: {  	v19 =	vld [tilespmem:s31+$0x10690];
	v22 =	vshrl.u32 v22, $0x3;
	v20 =	vadd.f32 v24, v20;
	v58 =	vadd.f32 v26, v25  }
0xb9: {  	v60 =	vld [tilespmem:s31+$0x11310];
	v16 =	vadd.f32 v18, v16;
	v18 =	vadd.f32 v28, v27;
	v22 =	vshll.u32 v22, $0x3  }
0xba: {  	v61 =	vadd.f32 v30, v29;
	v22 =	vbroadcast v22, $0x0;
	v21 =	vadd.f32 v21, v33  }
0xbb: {  	v11 =	vadd.f32 v18, v11;
	v18 =	vadd.f32 v32, v31  }
0xbc: {  	v14 =	vadd.f32 v58, v14;
	v12 =	vadd.f32 v61, v12;
	v62 =	vor.u32 v0, v22  }
0xbd: {  	v13 =	vadd.f32 v18, v13;
	v18 =	vadd.f32 v19, v23;
	v19 =	vadd.s32 v2, v22  }
0xbe: {  	v15 =	vadd.f32 v21, v15;
	v21 =	vadd.f32 v60, v59;
	v23 =	vadd.s32 v3, v22  }
0xbf: {  	v14 =	vadd.f32 v14, v9;
	v17 =	vadd.f32 v18, v17;
	v18 =	vadd.s32 v4, v22  }
0xc0: {  	v11 =	vadd.f32 v11, v9;
	v16 =	vadd.f32 v21, v16;
	v21 =	vadd.s32 v5, v22  }
0xc1: {  	v12 =	vadd.f32 v12, v9;
	[tilespmem:v62+s22+$0x0] =	vst.idx.msk $0xffff, v14;
	v14 =	vadd.s32 v6, v22  }
0xc2: {  	[tilespmem:v19+s22+$0x0] =	vst.idx.msk $0xffff, v11;
	v11 =	vadd.f32 v13, v9;
	v13 =	vadd.s32 v7, v22  }
0xc3: {  	[tilespmem:v23+s22+$0x0] =	vst.idx.msk $0xffff, v12;
	v12 =	vadd.f32 v15, v9;
	v15 =	vadd.s32 v8, v22  }
0xc4: {  	v10 =	vadd.f32 v20, v10;
	[tilespmem:v18+s22+$0x0] =	vst.idx.msk $0xffff, v11;
	v11 =	vadd.f32 v17, v9  }
0xc5: {  	s0 =	smul.u32 @!p0 $0x3200, s29;
	[tilespmem:v21+s22+$0x0] =	vst.idx.msk $0xffff, v12;
	v12 =	vadd.f32 v16, v9  }
0xc6: {  	v10 =	vadd.f32 v10, v9;
	[tilespmem:v14+s22+$0x0] =	vst.idx.msk $0xffff, v11  }
0xc7: {  	s29 =	sshra.s32 @!p0 s0, $0x2;
	[tilespmem:v13+s22+$0x0] =	vst.idx.msk $0xffff, v12  }
0xc8: {  	s2 =	simm.s32 @!p0 $0xC800;
	s0 =	sadd.s32 @!p0 $0x7080, s29;
	s31 =	simm.s32 @!p0 $0x80;
	[tilespmem:v15+s22+$0x0] =	vst.idx.msk $0xffff, v10  }
0xc9: {  	[tilespmem:s2], [sflag:$0x1] =	stream.indirect.gather @!p0 [hbm4b:s4+s31], $0x10, s0, s31, $0xb8;
	[tilespmem:$0x19810] =	vst v63  }
0xca: {  	s0 =	sadd.s32 @!p0 $0x7100, s29;
	s2 =	simm.s32 @!p0 $0xD000  }
0xcb: {  	[tilespmem:s2], [sflag:$0x1] =	stream.indirect.gather @!p0 [hbm4b:s4+s31], $0x10, s0, s31, $0xb8;
	[tilespmem:$0x19810] =	vst v63  }
0xcc: {  	s0 =	sadd.s32 @!p0 $0x7180, s29;
	s2 =	simm.s32 @!p0 $0xD800  }
0xcd: {  	[tilespmem:s2], [sflag:$0x1] =	stream.indirect.gather @!p0 [hbm4b:s4+s31], $0x10, s0, s31, $0xb8;
	[tilespmem:$0x19810] =	vst v63  }
0xce: {  	s0 =	sadd.s32 @!p0 $0x7200, s29;
	s2 =	simm.s32 @!p0 $0xE000  }
0xcf: {  	[tilespmem:s2], [sflag:$0x1] =	stream.indirect.gather @!p0 [hbm4b:s4+s31], $0x10, s0, s31, $0xb8;
	[tilespmem:$0x19810] =	vst v63  }
0xd0: {  	s0 =	sadd.s32 @!p0 $0x7280, s29;
	s2 =	simm.s32 @!p0 $0xE800  }
0xd1: {  	[tilespmem:s2], [sflag:$0x1] =	stream.indirect.gather @!p0 [hbm4b:s4+s31], $0x10, s0, s31, $0xb8;
	[tilespmem:$0x19810] =	vst v63  }
0xd2: {  	s0 =	sadd.s32 @!p0 $0x7300, s29;
	s2 =	simm.s32 @!p0 $0xF000  }
0xd3: {  	[tilespmem:s2], [sflag:$0x1] =	stream.indirect.gather @!p0 [hbm4b:s4+s31], $0x10, s0, s31, $0xb8;
	[tilespmem:$0x19810] =	vst v63  }
0xd4: {  	s0 =	sadd.s32 @!p0 $0x7380, s29;
	s2 =	simm.s32 @!p0 $0xF800  }
0xd5: {  	[tilespmem:s2], [sflag:$0x1] =	stream.indirect.gather @!p0 [hbm4b:s4+s31], $0x10, s0, s31, $0xb8;
	[tilespmem:$0x19810] =	vst v63  }
0xd6: {  	s0 =	sadd.s32 @!p0 $0x7400, s29;
	s2 =	simm.s32 @!p0 $0x10000  }
0xd7: {  	[tilespmem:s2], [sflag:$0x1] =	stream.indirect.gather @!p0 [hbm4b:s4+s31], $0x10, s0, s31, $0xb8;
	[tilespmem:$0x19810] =	vst v63  }
0xd8: {  	s0 =	sadd.s32 @!p0 $0x7480, s29;
	s2 =	simm.s32 @!p0 $0x10800  }
0xd9: {  	[tilespmem:s2], [sflag:$0x1] =	stream.indirect.gather @!p0 [hbm4b:s4+s31], $0x10, s0, s31, $0xb8;
	[tilespmem:$0x19810] =	vst v63  }
0xda: {  	s0 =	sadd.s32 @!p0 $0x7500, s29;
	s2 =	simm.s32 @!p0 $0x11000  }
0xdb: {  	[tilespmem:s2], [sflag:$0x1] =	stream.indirect.gather @!p0 [hbm4b:s4+s31], $0x10, s0, s31, $0xb8;
	[tilespmem:$0x19810] =	vst v63  }
0xdc: {  	s0 =	sadd.s32 @!p0 $0x7580, s29;
	s2 =	simm.s32 @!p0 $0x11800  }
0xdd: {  	[tilespmem:s2], [sflag:$0x1] =	stream.indirect.gather @!p0 [hbm4b:s4+s31], $0x10, s0, s31, $0xb8;
	[tilespmem:$0x19810] =	vst v63  }
0xde: {  	s0 =	sadd.s32 @!p0 $0x7600, s29;
	s2 =	simm.s32 @!p0 $0x12000  }
0xdf: {  	[tilespmem:s2], [sflag:$0x1] =	stream.indirect.gather @!p0 [hbm4b:s4+s31], $0x10, s0, s31, $0xb8;
	[tilespmem:$0x19810] =	vst v63  }
0xe0: {  	s0 =	sadd.s32 @!p0 $0x7680, s29;
	s2 =	simm.s32 @!p0 $0x40;
	s31 =	simm.s32 @!p0 $0x12800  }
0xe1: {  	[tilespmem:s31], [sflag:$0x1] =	stream.indirect.gather @!p0 [hbm4b:s4+s2], $0x10, s0, s2, $0xb8;
	[tilespmem:$0x19810] =	vst v63  }
0xe2: {  	_ =	swait.ge [sflag:s23], $0x6400  }
0xe3: {  	[sflag:s23] =	ssyncset.done $0x0  }
0xe4: {  	s2 =	simm.s32 $0x0;
	[sflag:s23] =	ssyncadd.s32 $0xFFFF9C00  }
0xe5: {  	v10 =	vld [tilespmem:s2+$0x18380]  }
0xe6: {  	v11 =	vld [tilespmem:s2+$0x18390]  }
0xe7: {  	v12 =	vld [tilespmem:s2+$0x12C00]  }
0xe8: {  	v13 =	vld [tilespmem:s2+$0x12C10]  }
0xe9: {  	v14 =	vld [tilespmem:s2+$0x13880]  }
0xea: {  	v16 =	vld [tilespmem:s2+$0x13890]  }
0xeb: {  	v17 =	vld [tilespmem:s2+$0x14500]  }
0xec: {  	v19 =	vld [tilespmem:s2+$0x14510]  }
0xed: {  	v20 =	vld [tilespmem:s2+$0x15180]  }
0xee: {  	v22 =	vld [tilespmem:s2+$0x15190]  }
0xef: {  	v23 =	vld [tilespmem:s2+$0x15E00]  }
0xf0: {  	v63 =	vld [tilespmem:s2+$0x15E10];
	_ =	sdelay $0x1  }
0xf1: {  	v10 =	vadd.f32 v11, v10  }
0xf2: {  	v18 =	vld [tilespmem:s2+$0x16A80];
	v11 =	vadd.f32 v13, v12;
	v12 =	vadd.f32 v16, v14  }
0xf3: {  	v15 =	vimm.f32 $0.0e+00;
	v21 =	vld [tilespmem:s2+$0x16A90];
	v13 =	vadd.f32 v19, v17;
	v16 =	vadd.f32 v22, v20  }
0xf4: {  	v19 =	vld [tilespmem:s2+$0x17700];
	v23 =	vadd.f32 v63, v23;
	v10 =	vadd.f32 v10, v15  }
0xf5: {  	s31 =	simm.s32 $0x20;
	v22 =	vld [tilespmem:s2+$0x17710];
	v17 =	vimm.f32 $0.0e+00;
	v14 =	vadd.f32 v11, v15;
	v11 =	vadd.f32 v12, v15  }
0xf6: {  	s0 =	simm.s32 $0x100;
	v20 =	vld [tilespmem:s31+$0x18380];
	v12 =	vadd.f32 v13, v15;
	v13 =	vadd.f32 v16, v15;
	v16 =	vimm.f32 $0.0e+00  }
.LBB2_11:
0xf7: {  	p1 =	sne.s32 s0, $0x3180;
	v24 =	vld [tilespmem:s31+$0x18390]  }
0xf8: {  	v25 =	vld [tilespmem:s31+$0x12C00];
	v15 =	vadd.f32 v23, v15;
	v18 =	vadd.f32 v21, v18  }
0xf9: {  	v21 =	vld [tilespmem:s31+$0x12C10]  }
0xfa: {  	v23 =	vld [tilespmem:s31+$0x13880];
	v17 =	vadd.f32 v18, v17;
	v18 =	vadd.f32 v22, v19  }
0xfb: {  	v19 =	vld [tilespmem:s31+$0x13890]  }
0xfc: {  	v22 =	vld [tilespmem:s31+$0x14500];
	v20 =	vadd.f32 v24, v20;
	v16 =	vadd.f32 v18, v16  }
0xfd: {  	v18 =	vld [tilespmem:s31+$0x14510]  }
0xfe: {  	v21 =	vadd.f32 v21, v25;
	v24 =	vld [tilespmem:s31+$0x15180];
	v10 =	vadd.f32 v20, v10  }
0xff: {  	v20 =	vld [tilespmem:s31+$0x15190]  }
0x100: {  	v14 =	vadd.f32 v21, v14;
	v19 =	vadd.f32 v19, v23;
	v23 =	vld [tilespmem:s31+$0x15E00]  }
0x101: {  	v25 =	vld [tilespmem:s31+$0x15E10]  }
.Ltmp4:
0x102: {  	v11 =	vadd.f32 v19, v11;
	v19 =	vadd.f32 v18, v22;
	v18 =	vld [tilespmem:s31+$0x16A80];
	(pc) =	sbr.rel @p1 .LBB2_11-.Ltmp4, $4  }
0x103: {  	v21 =	vld [tilespmem:s31+$0x16A90]  }
0x104: {  	v12 =	vadd.f32 v19, v12;
	v24 =	vadd.f32 v20, v24;
	v19 =	vld [tilespmem:s31+$0x17700]  }
0x105: {  	v22 =	vld [tilespmem:s31+$0x17710];
	s31 =	sshra.s32 s0, $0x2  }
0x106: {  	s0 =	sadd.s32 $0x80, s0;
	v20 =	vld [tilespmem:s31+$0x18380];
	v13 =	vadd.f32 v24, v13;
	v23 =	vadd.f32 v25, v23  }
0x107: {  	v24 =	vld [tilespmem:s31+$0x18390]  }
0x108: {  	v25 =	vld [tilespmem:s31+$0x12C00]  }
0x109: {  	v26 =	vld [tilespmem:s31+$0x12C10]  }
0x10a: {  	v27 =	vld [tilespmem:s31+$0x13880]  }
0x10b: {  	v28 =	vld [tilespmem:s31+$0x13890]  }
0x10c: {  	v29 =	vld [tilespmem:s31+$0x14500]  }
0x10d: {  	v30 =	vld [tilespmem:s31+$0x14510]  }
0x10e: {  	v31 =	vld [tilespmem:s31+$0x15180]  }
0x10f: {  	v32 =	vld [tilespmem:s31+$0x15190]  }
0x110: {  	v33 =	vld [tilespmem:s31+$0x15E00]  }
0x111: {  	v41 =	vld [tilespmem:s31+$0x15E10]  }
0x112: {  	v42 =	vld [tilespmem:s31+$0x16A80]  }
0x113: {  	v44 =	vld [tilespmem:s31+$0x16A90];
	v18 =	vadd.f32 v21, v18  }
0x114: {  	s0 =	sor.u32 $0x8, s30;
	v47 =	vld [tilespmem:s31+$0x17700];
	v15 =	vadd.f32 v23, v15  }
0x115: {  	v49 =	vld [tilespmem:s31+$0x17710];
	v45 =	vmov s0;
	v17 =	vadd.f32 v18, v17;
	v43 =	vadd.f32 v22, v19  }
0x116: {  	v22 =	vshrl.u32 v45, $0x3;
	v20 =	vadd.f32 v24, v20;
	v46 =	vadd.f32 v26, v25  }
0x117: {  	v22 =	vshll.u32 v22, $0x3;
	v16 =	vadd.f32 v43, v16;
	v48 =	vadd.f32 v28, v27  }
0x118: {  	v50 =	vadd.f32 v30, v29;
	v22 =	vbroadcast v22, $0x0;
	v51 =	vadd.f32 v32, v31  }
0x119: {  	v21 =	vadd.f32 v41, v33;
	v53 =	vadd.f32 v44, v42  }
0x11a: {  	v55 =	vadd.f32 v49, v47;
	v14 =	vadd.f32 v46, v14;
	v52 =	vadd.s32 v0, v22  }
0x11b: {  	v11 =	vadd.f32 v48, v11;
	v12 =	vadd.f32 v50, v12;
	v54 =	vadd.s32 v2, v22  }
0x11c: {  	v13 =	vadd.f32 v51, v13;
	v15 =	vadd.f32 v21, v15;
	v56 =	vadd.s32 v3, v22  }
0x11d: {  	v17 =	vadd.f32 v53, v17;
	v57 =	vadd.s32 v4, v22;
	v14 =	vadd.f32 v14, v9  }
0x11e: {  	v16 =	vadd.f32 v55, v16;
	v58 =	vadd.s32 v5, v22;
	v11 =	vadd.f32 v11, v9  }
0x11f: {  	v59 =	vadd.s32 v6, v22;
	v12 =	vadd.f32 v12, v9;
	[tilespmem:v52+s22+$0x0] =	vst.idx.msk $0xffff, v14  }
0x120: {  	v60 =	vadd.s32 v7, v22;
	[tilespmem:v54+s22+$0x0] =	vst.idx.msk $0xffff, v11;
	v11 =	vadd.f32 v13, v9  }
0x121: {  	v62 =	vadd.s32 v8, v22;
	v61 =	vadd.f32 v15, v9;
	[tilespmem:v56+s22+$0x0] =	vst.idx.msk $0xffff, v12  }
0x122: {  	v10 =	vadd.f32 v20, v10;
	[tilespmem:v57+s22+$0x0] =	vst.idx.msk $0xffff, v11;
	v11 =	vadd.f32 v17, v9  }
0x123: {  	v63 =	vadd.f32 v16, v9;
	[tilespmem:v58+s22+$0x0] =	vst.idx.msk $0xffff, v61  }
0x124: {  	v10 =	vadd.f32 v10, v9;
	[tilespmem:v59+s22+$0x0] =	vst.idx.msk $0xffff, v11  }
0x125: {  	[tilespmem:v60+s22+$0x0] =	vst.idx.msk $0xffff, v63  }
0x126: {  	s2 =	simm.s32 @!p0 $0x80;
	s30 =	simm.s32 @!p0 $0x12C00;
	s0 =	sadd.s32 @!p0 $0x76C0, s29;
	[tilespmem:v62+s22+$0x0] =	vst.idx.msk $0xffff, v10  }
0x127: {  	[tilespmem:s30], [sflag:$0x2] =	stream.indirect.gather @!p0 [hbm4b:s4+s2], $0x10, s0, s2, $0xb8;
	[tilespmem:$0x19810] =	vst v63  }
0x128: {  	s0 =	sadd.s32 @!p0 $0x7740, s29;
	s30 =	simm.s32 @!p0 $0x13400  }
0x129: {  	[tilespmem:s30], [sflag:$0x2] =	stream.indirect.gather @!p0 [hbm4b:s4+s2], $0x10, s0, s2, $0xb8;
	[tilespmem:$0x19810] =	vst v63  }
0x12a: {  	s0 =	sadd.s32 @!p0 $0x77C0, s29;
	s30 =	simm.s32 @!p0 $0x13C00  }
0x12b: {  	[tilespmem:s30], [sflag:$0x2] =	stream.indirect.gather @!p0 [hbm4b:s4+s2], $0x10, s0, s2, $0xb8;
	[tilespmem:$0x19810] =	vst v63  }
0x12c: {  	s0 =	sadd.s32 @!p0 $0x7840, s29;
	s30 =	simm.s32 @!p0 $0x14400  }
0x12d: {  	[tilespmem:s30], [sflag:$0x2] =	stream.indirect.gather @!p0 [hbm4b:s4+s2], $0x10, s0, s2, $0xb8;
	[tilespmem:$0x19810] =	vst v63  }
0x12e: {  	s0 =	sadd.s32 @!p0 $0x78C0, s29;
	s30 =	simm.s32 @!p0 $0x14C00  }
0x12f: {  	[tilespmem:s30], [sflag:$0x2] =	stream.indirect.gather @!p0 [hbm4b:s4+s2], $0x10, s0, s2, $0xb8;
	[tilespmem:$0x19810] =	vst v63  }
0x130: {  	s0 =	sadd.s32 @!p0 $0x7940, s29;
	s30 =	simm.s32 @!p0 $0x15400  }
0x131: {  	[tilespmem:s30], [sflag:$0x2] =	stream.indirect.gather @!p0 [hbm4b:s4+s2], $0x10, s0, s2, $0xb8;
	[tilespmem:$0x19810] =	vst v63  }
0x132: {  	s0 =	sadd.s32 @!p0 $0x79C0, s29;
	s30 =	simm.s32 @!p0 $0x15C00  }
0x133: {  	[tilespmem:s30], [sflag:$0x2] =	stream.indirect.gather @!p0 [hbm4b:s4+s2], $0x10, s0, s2, $0xb8;
	[tilespmem:$0x19810] =	vst v63  }
0x134: {  	s0 =	sadd.s32 @!p0 $0x7A40, s29;
	s30 =	simm.s32 @!p0 $0x16400  }
0x135: {  	[tilespmem:s30], [sflag:$0x2] =	stream.indirect.gather @!p0 [hbm4b:s4+s2], $0x10, s0, s2, $0xb8;
	[tilespmem:$0x19810] =	vst v63  }
0x136: {  	s0 =	sadd.s32 @!p0 $0x7AC0, s29;
	s30 =	simm.s32 @!p0 $0x16C00  }
0x137: {  	[tilespmem:s30], [sflag:$0x2] =	stream.indirect.gather @!p0 [hbm4b:s4+s2], $0x10, s0, s2, $0xb8;
	[tilespmem:$0x19810] =	vst v63  }
0x138: {  	p1 =	sne.s32 @!p0 s28, $0x8;
	s0 =	sadd.s32 @!p0 $0x7B40, s29;
	s30 =	simm.s32 @!p0 $0x17400  }
0x139: {  	[tilespmem:s30], [sflag:$0x2] =	stream.indirect.gather @!p0 [hbm4b:s4+s2], $0x10, s0, s2, $0xb8;
	[tilespmem:$0x19810] =	vst v63  }
0x13a: {  	p1 =	por p0, !p1;
	s0 =	sadd.s32 @!p0 $0x7BC0, s29;
	s30 =	simm.s32 @!p0 $0x17C00  }
0x13b: {  	[tilespmem:s30], [sflag:$0x2] =	stream.indirect.gather @!p0 [hbm4b:s4+s2], $0x10, s0, s2, $0xb8;
	[tilespmem:$0x19810] =	vst v63  }
.Ltmp5:
0x13c: {  	s0 =	sadd.s32 @!p0 $0x7C40, s29;
	s30 =	simm.s32 @!p0 $0x18400;
	(pc) =	sbr.rel @!p1 .LBB2_4-.Ltmp5, $4  }
0x13d: {  	[tilespmem:s30], [sflag:$0x2] =	stream.indirect.gather @!p0 [hbm4b:s4+s2], $0x10, s0, s2, $0xb8;
	[tilespmem:$0x19810] =	vst v63  }
0x13e: {  	s0 =	sadd.s32 @!p0 $0x7CC0, s29;
	s2 =	simm.s32 @!p0 $0x40;
	s29 =	simm.s32 @!p0 $0x18C00  }
0x13f: {  	[tilespmem:s29], [sflag:$0x2] =	stream.indirect.gather @!p0 [hbm4b:s4+s2], $0x10, s0, s2, $0xb8;
	[tilespmem:$0x19810] =	vst v63  }
0x140: {  	s26 =	sadd.s32 @!p0 $0xC80, s26;
	s29 =	smov.u32 s28  }
0x141: {  	s25 =	sadd.s32 $0x1, s25  }
0x142: {  	p0 =	sne.s32 s25, s7  }
.Ltmp6:
0x143: {  	_ = 	snop;
	(pc) =	sbr.rel @p0 .LBB2_1-.Ltmp6, $4  }
0x144: {  	[hbm4b:s6+s13] =	stream.strided.scatter [tilespmem:s22], [sflag:$0x3], $0x800, s24, s13, $0x38;
	[tilespmem:$0x19810] =	vst v63  }
0x145: {  	_ =	swait.ge [sflag:s10], $0x800  }
0x146: {  	[sflag:s10] =	ssyncset.done $0x0  }
0x147: {  	[sflag:s10] =	ssyncadd.s32 $0xFFFFF800  }
0x148: {  	_ =	sfence.sel $0x180000  }
0x149: {  	[bflag:$0x0] =	sbarrier.arrive $0xFFFF  }
0x14a: {  	_ =	strace $0x90000047  }
0x14b: {  	s0 =	stileid.u32;
	[bflag:$0x2] =	sbarrier.arrive $0xFFFF  }
0x14c: {  	p0 =	sne.s32 s0, $0x0;
	s0 =	rddreg [dreg:$0x3]  }
0x14d: {  	s0 =	sadd.s32 @!p0 $0x100000, s0  }
0x14e: {  	[sflag:s0] =	ssyncadd.tile.s32 @!p0 $0x1;
	_ =	shalt  }
.Lfunc_end2:
_tile_overlayer_lowered:
.L_overlay_start_2:
0x14f: {  	(tag) =	ssettag $0x2  }
0x150: {  	s0 =	rddreg [dreg:$0x0];
	s2 =	stileid.u32  }
0x151: {  	s1 =	rddreg [dreg:$0x1];
	p0 =	sne.s32 s2, $0x0  }
0x152: {  	s3 =	rddreg [dreg:$0x2];
	[bflag:$0x3] =	sbarrier.arrive $0xFFFF;
	s2 =	simm.s32 @!p0 $0x1C03  }
0x153: {  	[timem:s3], [sflag:s2] =	dma.local @!p0 [hbm:s0], s1  }
0x154: {  	s0 =	simm.s32 @!p0 $0x3  }
0x155: {  	_ =	swait.ge @!p0 [sflag:s0], s1  }
0x156: {  	s1 =	ssub.s32 @!p0 $0x0, s1;
	[sflag:s0] =	ssyncset.done @!p0 $0x0  }
0x157: {  	[sflag:s0] =	ssyncadd.s32 @!p0 s1  }
0x158: {  	[bflag:$0x3] =	sbarrier.arrive $0xFFFF  }
0x159: {  	_ =	shalt  }

</sc_bundles>
